<compile_context>
chip_gen: v7x
topology: tpu7x:2x2x1
jax: 0.10.2.dev20260603
libtpu: 0.0.44.dev20260713+nightly
codegen_flags: <defaults>
</compile_context>

<pallas_src>
import functools

import jax
import jax.numpy as jnp
from jax import lax
from jax.experimental import pallas as pl
from jax.experimental.pallas import tpu as pltpu
from jax.experimental.pallas import tpu_sc as plsc

N_PAD = 2048
E_PE = 40960
E_RQ = 12288
PE_ROWS = 20
RQ_ROWS = 6
ADJ_PER_TILE = (N_PAD * N_PAD) // 16
ZCHUNK = 16384


def _sc_body(edges, req, resources, adj_out, agg_out,
             zflat, ones_v, src_f, dst_f, keybuf, ops_f, res_f,
             opsidx, residx, rows_v, z2d, agg_sh, sem):
    tid = lax.axis_index("s")

    def _zf(i, _):
        zflat[pl.ds(i * 16, 16)] = jnp.zeros((16,), jnp.float32)
        return 0
    lax.fori_loop(0, ZCHUNK // 16, _zf, 0)

    def _on(i, _):
        ones_v[pl.ds(i * 16, 16)] = jnp.ones((16,), jnp.float32)
        return 0
    lax.fori_loop(0, 8, _on, 0)

    def _z2(i, _):
        r = i // 8
        c = (i % 8) * 16
        z2d[r, pl.ds(c, 16)] = jnp.zeros((16,), jnp.float32)
        return 0
    lax.fori_loop(0, 128 * 8, _z2, 0)

    base = tid * ADJ_PER_TILE
    for k in range(ADJ_PER_TILE // ZCHUNK):
        pltpu.sync_copy(zflat, adj_out.at[pl.ds(base + k * ZCHUNK, ZCHUNK)])

    pltpu.sync_copy(z2d, agg_sh.at[pl.ds(tid * 128, 128)])

    pe_per_tile = PE_ROWS * 128
    pltpu.sync_copy(edges.at[0, pl.ds(tid * pe_per_tile, pe_per_tile)], src_f)
    pltpu.sync_copy(edges.at[1, pl.ds(tid * pe_per_tile, pe_per_tile)], dst_f)

    def _key(i, _):
        s = src_f[pl.ds(i * 16, 16)]
        d = dst_f[pl.ds(i * 16, 16)]
        keybuf[i // 8, pl.ds((i % 8) * 16, 16)] = s * N_PAD + d
        return 0
    lax.fori_loop(0, PE_ROWS * 8, _key, 0)

    rq_per_tile = RQ_ROWS * 128
    pltpu.sync_copy(req.at[0, pl.ds(tid * rq_per_tile, rq_per_tile)], ops_f)
    pltpu.sync_copy(req.at[1, pl.ds(tid * rq_per_tile, rq_per_tile)], res_f)

    def _rq(i, _):
        opsidx[i // 8, pl.ds((i % 8) * 16, 16)] = ops_f[pl.ds(i * 16, 16)]
        residx[i // 8, pl.ds((i % 8) * 16, 16)] = res_f[pl.ds(i * 16, 16)]
        return 0
    lax.fori_loop(0, RQ_ROWS * 8, _rq, 0)

    plsc.subcore_barrier()

    cps = [pltpu.async_copy(ones_v, adj_out.at[keybuf.at[j]], sem)
           for j in range(PE_ROWS)]
    for cp in cps:
        cp.wait()

    for c in range(RQ_ROWS):
        pltpu.async_copy(resources.at[residx.at[c]], rows_v, sem).wait()
        pltpu.sync_copy(rows_v, agg_sh.at[opsidx.at[c]], add=True)

    plsc.subcore_barrier()

    pltpu.sync_copy(agg_sh.at[pl.ds(tid * 128, 128)],
                    agg_out.at[pl.ds(tid * 128, 128)])


@jax.jit
def _sc_build(edges, req, resources):
    mesh = plsc.VectorSubcoreMesh(core_axis_name="c", subcore_axis_name="s",
                                  num_cores=1)
    f = pl.kernel(
        _sc_body,
        out_type=[
            jax.ShapeDtypeStruct((N_PAD * N_PAD,), jnp.float32),
            jax.ShapeDtypeStruct((N_PAD, 128), jnp.float32),
        ],
        mesh=mesh,
        scratch_types=[
            pltpu.VMEM((ZCHUNK,), jnp.float32),
            pltpu.VMEM((128,), jnp.float32),
            pltpu.VMEM((PE_ROWS * 128,), jnp.int32),
            pltpu.VMEM((PE_ROWS * 128,), jnp.int32),
            pltpu.VMEM((PE_ROWS, 128), jnp.int32),
            pltpu.VMEM((RQ_ROWS * 128,), jnp.int32),
            pltpu.VMEM((RQ_ROWS * 128,), jnp.int32),
            pltpu.VMEM((RQ_ROWS, 128), jnp.int32),
            pltpu.VMEM((RQ_ROWS, 128), jnp.int32),
            pltpu.VMEM((128, 128), jnp.float32),
            pltpu.VMEM((128, 128), jnp.float32),
            pltpu.VMEM_SHARED((N_PAD, 128), jnp.float32),
            pltpu.SemaphoreType.DMA,
        ],
    )
    return f(edges, req, resources)


def _elu(x):
    return jnp.where(x > 0, x, jnp.exp(x) - 1.0)


def _tc_body(adj_ref, ops_ref, agg_ref,
             pw1, pb1, pw2, pb2, pw3, pb3,
             sw1, sb1, sw2, sb2, sw3, sb3,
             mw1, mb1, mw2, mb2, mw3, mb3,
             rw1, rb1, rw2, rb2, rw3, rb3,
             cw1, cb1, cw2, cb2, cw3, cb3,
             out_ref, succ_acc, pred_acc):
    i = pl.program_id(0)

    @pl.when(i < 8)
    def _matmul():
        a = adj_ref[...].astype(jnp.bfloat16)
        b = ops_ref[...].astype(jnp.bfloat16)
        succ_acc[pl.ds(i * 256, 256), :] = lax.dot_general(
            a, b, (((1,), (0,)), ((), ())),
            preferred_element_type=jnp.float32)
        bi = ops_ref[pl.ds(i * 256, 256), :].astype(jnp.bfloat16)
        contrib = lax.dot_general(
            a, bi, (((0,), (0,)), ((), ())),
            preferred_element_type=jnp.float32)

        @pl.when(i == 0)
        def _():
            pred_acc[...] = contrib

        @pl.when(i > 0)
        def _():
            pred_acc[...] = pred_acc[...] + contrib

    @pl.when(i == 8)
    def _mlps():
        pred = pred_acc[...]
        succ = succ_acc[...]
        pm = pred[:, :128] / jnp.maximum(pred[:, 128:129], 1.0)
        sm = succ[:, :128] / jnp.maximum(succ[:, 128:129], 1.0)
        ops_x = ops_ref[:, :128]
        agg_x = agg_ref[:, :64]

        def mlp(w1, b1, w2, b2, w3, b3, x):
            h = _elu(lax.dot_general(x, w1[...], (((1,), (0,)), ((), ())),
                                     preferred_element_type=jnp.float32)
                     + b1[...])
            h = _elu(lax.dot_general(h, w2[...], (((1,), (0,)), ((), ())),
                                     preferred_element_type=jnp.float32)
                     + b2[...])
            return (lax.dot_general(h, w3[...], (((1,), (0,)), ((), ())),
                                    preferred_element_type=jnp.float32)
                    + b3[...])

        preds = mlp(pw1, pb1, pw2, pb2, pw3, pb3, pm)
        succs = mlp(sw1, sb1, sw2, sb2, sw3, sb3, sm)
        same = mlp(mw1, mb1, mw2, mb2, mw3, mb3, ops_x)
        aggm = mlp(rw1, rb1, rw2, rb2, rw3, rb3, agg_x)
        comb_in = jnp.concatenate([preds, succs, aggm, same], axis=-1)
        combined = mlp(cw1, cb1, cw2, cb2, cw3, cb3, comb_in)

        rid = lax.broadcasted_iota(jnp.int32, (N_PAD, 1), 0)
        valid = (rid >= 1) & (rid <= 1998)
        out_ref[...] = jnp.where(valid, combined, 0.0)


def _tc_call(adj2d, ops_aug, agg, flat_params, interpret=False):
    full = lambda arr: pl.BlockSpec(arr.shape,
                                    lambda i, _nd=len(arr.shape): (0,) * _nd)
    in_specs = [
        pl.BlockSpec((256, N_PAD), lambda i: (jnp.minimum(i, 7), 0)),
        full(ops_aug),
        full(agg),
    ] + [full(p) for p in flat_params]
    return pl.pallas_call(
        _tc_body,
        grid=(9,),
        in_specs=in_specs,
        out_specs=pl.BlockSpec((N_PAD, 64), lambda i: (0, 0)),
        out_shape=jax.ShapeDtypeStruct((N_PAD, 64), jnp.float32),
        scratch_shapes=[
            pltpu.VMEM((N_PAD, 256), jnp.float32),
            pltpu.VMEM((N_PAD, 256), jnp.float32),
        ],
        interpret=interpret,
    )(adj2d, ops_aug, agg, *flat_params)


def _flatten_params(params):
    flat = []
    for name in ("pred", "succ", "same", "res", "comb"):
        p = params[name]
        flat += [p["w1"], p["b1"].reshape(1, -1),
                 p["w2"], p["b2"].reshape(1, -1),
                 p["w3"], p["b3"].reshape(1, -1)]
    return flat


def kernel(operations, resources, precedence_edges, requirement_edges, params):
    n = operations.shape[0]
    pe = precedence_edges.astype(jnp.int32)
    rq = requirement_edges.astype(jnp.int32)

    pe_fill = jnp.full((2, E_PE - pe.shape[1]), N_PAD - 1, jnp.int32)
    pe_pad = jnp.concatenate([pe, pe_fill], axis=1)
    rq_fill = jnp.concatenate([
        jnp.full((1, E_RQ - rq.shape[1]), N_PAD - 1, jnp.int32),
        jnp.zeros((1, E_RQ - rq.shape[1]), jnp.int32)], axis=0)
    rq_pad = jnp.concatenate([rq, rq_fill], axis=1)

    res_pad = jnp.zeros((resources.shape[0], 128), jnp.float32)
    res_pad = res_pad.at[:, :64].set(resources)
    adj_flat, agg128 = _sc_build(pe_pad, rq_pad, res_pad)
    agg = agg128[:, :64]
    adj2d = adj_flat.reshape(N_PAD, N_PAD)

    ops_aug = (jnp.zeros((N_PAD, 256), jnp.float32)
               .at[:n, :128].set(operations)
               .at[:, 128].set(1.0))

    out_pad = _tc_call(adj2d, ops_aug, agg, _flatten_params(params))
    return out_pad[:n]

# --- scband reference (transcript-rebuilt; emitter-appended) ---
"""Pipeline reference for scband-operation-embedding-layer-71683004171058 (READ-ONLY COPY).

The authoritative reference and input builder live on the scoring server;
editing this copy changes nothing except your own understanding.
"""

import jax, jax.numpy as jnp
import numpy as np

MLP_SIZE = 128
IN_CH = 128
OUT_CH = 64
N_OPS = 2000
N_RES = 64


def _mlp_params(key, din, dh, dout):
    k1, k2, k3 = jax.random.split(key, 3)
    return {
        'w1': jax.random.normal(k1, (din, dh), dtype=jnp.float32) * 0.05,
        'b1': jnp.zeros((dh,), dtype=jnp.float32),
        'w2': jax.random.normal(k2, (dh, dh), dtype=jnp.float32) * 0.05,
        'b2': jnp.zeros((dh,), dtype=jnp.float32),
        'w3': jax.random.normal(k3, (dh, dout), dtype=jnp.float32) * 0.05,
        'b3': jnp.zeros((dout,), dtype=jnp.float32),
    }


def _mlp(p, x):
    x = jax.nn.elu(x @ p['w1'] + p['b1'])
    x = jax.nn.elu(x @ p['w2'] + p['b2'])
    return x @ p['w3'] + p['b3']


def setup_inputs(seed: int = 0) -> dict:
    key = jax.random.key(seed)
    ks = jax.random.split(key, 10)
    operations = jax.random.normal(ks[0], (N_OPS, IN_CH), dtype=jnp.float32)
    resources = jax.random.normal(ks[1], (N_RES, OUT_CH), dtype=jnp.float32)
    precedence_edges = jax.random.randint(ks[2], (2, 40000), 0, N_OPS, dtype=jnp.int64 if jax.config.read('jax_enable_x64') else jnp.int32)
    requirement_edges = jax.random.randint(ks[3], (2, 12000), 0, N_RES, dtype=jnp.int64 if jax.config.read('jax_enable_x64') else jnp.int32)
    params = {
        'pred': _mlp_params(ks[4], IN_CH, MLP_SIZE, OUT_CH),
        'succ': _mlp_params(ks[5], IN_CH, MLP_SIZE, OUT_CH),
        'same': _mlp_params(ks[6], IN_CH, MLP_SIZE, OUT_CH),
        'res': _mlp_params(ks[7], OUT_CH, MLP_SIZE, OUT_CH),
        'comb': _mlp_params(ks[8], 4 * OUT_CH, MLP_SIZE, OUT_CH),
    }
    return {
        'operations': operations,
        'resources': resources,
        'precedence_edges': precedence_edges,
        'requirement_edges': requirement_edges,
        'params': params,
    }


def reference(operations, resources, precedence_edges, requirement_edges, params):
    N = operations.shape[0]
    dtype = operations.dtype
    # to_dense_adj: dense NxN adjacency (duplicate edges accumulate)
    adj = jnp.zeros((N, N), dtype=dtype).at[precedence_edges[0], precedence_edges[1]].add(1.0)
    mask = (adj > 0).astype(dtype)  # .nonzero() semantics: distinct neighbors, unweighted

    # scatter-add resource embeddings onto operations via requirement edges
    ops_idx = requirement_edges[0]
    res_emb_by_edges = jnp.take(resources, requirement_edges[1], axis=0)
    agg_machine = jnp.zeros((N, resources.shape[1]), dtype=dtype).at[ops_idx].add(res_emb_by_edges)

    # unweighted mean over distinct predecessors (adj[:, i]) / successors (adj[i])
    pred_count = mask.sum(axis=0)
    succ_count = mask.sum(axis=1)
    pred_mean = (mask.T @ operations) / jnp.where(pred_count > 0, pred_count, 1.0)[:, None]
    succ_mean = (mask @ operations) / jnp.where(succ_count > 0, succ_count, 1.0)[:, None]

    preds = _mlp(params['pred'], pred_mean)
    succs = _mlp(params['succ'], succ_mean)
    same = _mlp(params['same'], operations[1:-1])
    aggm = _mlp(params['res'], agg_machine[1:-1])

    combined = _mlp(params['comb'], jnp.concatenate([preds[1:-1], succs[1:-1], aggm, same], axis=-1))
    embedding = jnp.zeros((N, OUT_CH), dtype=dtype).at[1:-1].set(combined)
    return embedding

if __name__ == "__main__":
    import jax
    _d = setup_inputs()
    print(jax.jit(kernel)(*tuple(_d.values())))

</pallas_src>

<mosaic_0001>
#map = affine_map<(d0, d1) -> (0, 0)>
#map1 = affine_map<(d0, d1) -> (0)>
module attributes {stable_mosaic.version = 14 : i64} {
  func.func @_sc_body(%arg0: i32, %arg1: i32, %arg2: memref<2x40960xi32, #tpu.memory_space<hbm>>, %arg3: memref<2x12288xi32, #tpu.memory_space<hbm>>, %arg4: memref<64x128xf32, #tpu.memory_space<hbm>>, %arg5: memref<4194304xf32, #tpu.memory_space<hbm>>, %arg6: memref<2048x128xf32, #tpu.memory_space<hbm>>, %arg7: memref<16384xf32, #tpu.memory_space<vmem>>, %arg8: memref<128xf32, #tpu.memory_space<vmem>>, %arg9: memref<2560xi32, #tpu.memory_space<vmem>>, %arg10: memref<2560xi32, #tpu.memory_space<vmem>>, %arg11: memref<20x128xi32, #tpu.memory_space<vmem>>, %arg12: memref<768xi32, #tpu.memory_space<vmem>>, %arg13: memref<768xi32, #tpu.memory_space<vmem>>, %arg14: memref<6x128xi32, #tpu.memory_space<vmem>>, %arg15: memref<6x128xi32, #tpu.memory_space<vmem>>, %arg16: memref<128x128xf32, #tpu.memory_space<vmem>>, %arg17: memref<128x128xf32, #tpu.memory_space<vmem>>, %arg18: memref<2048x128xf32, #tpu.memory_space<vmem_shared>>, %arg19: memref<!tpu.dma_semaphore, #tpu.memory_space<semaphore_mem>>) attributes {dimension_semantics = [#tpu.dimension_semantics<core_parallel>, #tpu.dimension_semantics<subcore_parallel>], iteration_bounds = array<i64: 1, 16>, scalar_prefetch = 0 : i64, scratch_operands = 13 : i64, tpu.core_type = #tpu.core_type<sc_vector_subcore>, window_params = [{transform_indices = #map}, {transform_indices = #map}, {transform_indices = #map}, {transform_indices = #map1}, {transform_indices = #map}]} {
    %scan3A = arith.constant 0 : i32
    %scan3A_0 = arith.constant 0 : i32
    %scan3A_1 = arith.constant 1024 : i32
    %scan3A_2 = arith.addi %scan3A_0, %scan3A_1 : i32
    %scan3A_3 = arith.constant 1 : i32
    %scan3A_4 = scf.for %scan3A_412 = %scan3A_0 to %scan3A_2 step %scan3A_3 iter_args(%scan3A_413 = %scan3A) -> (i32)  : i32 {
      %broadcast_in_dim3A = arith.constant 0.000000e+00 : f32
      %broadcast_in_dim3A_414 = vector.broadcast %broadcast_in_dim3A : f32 to vector<16xf32>
      %mul3A_415 = arith.constant 16 : i32
      %mul3A_416 = arith.muli %scan3A_412, %mul3A_415 : i32
      %swap3A = arith.index_cast %mul3A_416 : i32 to index
      %swap3A_417 = tpu.vector_load %arg7[%swap3A] {strides = array<i32>} : memref<16384xf32, #tpu.memory_space<vmem>>, vector<16xf32>,
      %swap3A_418 = vector.shape_cast %swap3A_417 : vector<16xf32> to vector<16xf32>
      %swap3A_419 = vector.shape_cast %broadcast_in_dim3A_414 : vector<16xf32> to vector<16xf32>
      tpu.vector_store %arg7[%swap3A], %swap3A_419 {strides = array<i32>} : memref<16384xf32, #tpu.memory_space<vmem>>, vector<16xf32>,
      %scan3A_420 = arith.constant 0 : i32
      scf.yield %scan3A_420 : i32
    }
    %scan3A_5 = arith.constant 1024 : i32
    %scan3A_6 = arith.constant 0 : i32
    %scan3A_7 = arith.constant 0 : i32
    %scan3A_8 = arith.constant 8 : i32
    %scan3A_9 = arith.addi %scan3A_7, %scan3A_8 : i32
    %scan3A_10 = arith.constant 1 : i32
    %scan3A_11 = scf.for %scan3A_412 = %scan3A_7 to %scan3A_9 step %scan3A_10 iter_args(%scan3A_413 = %scan3A_6) -> (i32)  : i32 {
      %broadcast_in_dim3A = arith.constant 1.000000e+00 : f32
      %broadcast_in_dim3A_414 = vector.broadcast %broadcast_in_dim3A : f32 to vector<16xf32>
      %mul3A_415 = arith.constant 16 : i32
      %mul3A_416 = arith.muli %scan3A_412, %mul3A_415 : i32
      %swap3A = arith.index_cast %mul3A_416 : i32 to index
      %swap3A_417 = tpu.vector_load %arg8[%swap3A] {strides = array<i32>} : memref<128xf32, #tpu.memory_space<vmem>>, vector<16xf32>,
      %swap3A_418 = vector.shape_cast %swap3A_417 : vector<16xf32> to vector<16xf32>
      %swap3A_419 = vector.shape_cast %broadcast_in_dim3A_414 : vector<16xf32> to vector<16xf32>
      tpu.vector_store %arg8[%swap3A], %swap3A_419 {strides = array<i32>} : memref<128xf32, #tpu.memory_space<vmem>>, vector<16xf32>,
      %scan3A_420 = arith.constant 0 : i32
      scf.yield %scan3A_420 : i32
    }
    %scan3A_12 = arith.constant 8 : i32
    %scan3A_13 = arith.constant 0 : i32
    %scan3A_14 = arith.constant 0 : i32
    %scan3A_15 = arith.constant 1024 : i32
    %scan3A_16 = arith.addi %scan3A_14, %scan3A_15 : i32
    %scan3A_17 = arith.constant 1 : i32
    %scan3A_18 = scf.for %scan3A_412 = %scan3A_14 to %scan3A_16 step %scan3A_17 iter_args(%scan3A_413 = %scan3A_13) -> (i32)  : i32 {
      %jit3A = arith.constant 8 : i32
      %div3A = arith.divsi %scan3A_412, %jit3A : i32
      %sign3A = arith.constant 0 : i32
      %sign3A_414 = arith.cmpi sgt, %scan3A_412, %sign3A : i32
      %sign3A_415 = arith.extui %sign3A_414 : i1 to i32
      %sign3A_416 = arith.constant 0 : i32
      %sign3A_417 = arith.cmpi slt, %scan3A_412, %sign3A_416 : i32
      %sign3A_418 = arith.extui %sign3A_417 : i1 to i32
      %sign3A_419 = arith.subi %sign3A_415, %sign3A_418 : i32
      %sign3A_420 = arith.constant 0 : i32
      %sign3A_421 = arith.cmpi sgt, %jit3A, %sign3A_420 : i32
      %sign3A_422 = arith.extui %sign3A_421 : i1 to i32
      %sign3A_423 = arith.constant 0 : i32
      %sign3A_424 = arith.cmpi slt, %jit3A, %sign3A_423 : i32
      %sign3A_425 = arith.extui %sign3A_424 : i1 to i32
      %sign3A_426 = arith.subi %sign3A_422, %sign3A_425 : i32
      %ne3A = arith.cmpi ne, %sign3A_419, %sign3A_426 : i32
      %rem3A = arith.remsi %scan3A_412, %jit3A : i32
      %ne3A_427 = arith.constant 0 : i32
      %ne3A_428 = arith.cmpi ne, %rem3A, %ne3A_427 : i32
      %and3A = arith.andi %ne3A, %ne3A_428 : i1
      %sub3A = arith.constant 1 : i32
      %sub3A_429 = arith.subi %div3A, %sub3A : i32
      %select_n3A = arith.select %and3A, %sub3A_429, %div3A : i32
      %jit3A_430 = arith.constant 8 : i32
      %eq3A = arith.constant 0 : i32
      %eq3A_431 = arith.cmpi eq, %jit3A_430, %eq3A : i32
      %jit3A_432 = arith.constant 1 : i32
      %select_n3A_433 = arith.select %eq3A_431, %jit3A_432, %jit3A_430 : i32
      %rem3A_434 = arith.remsi %scan3A_412, %select_n3A_433 : i32
      %ne3A_435 = arith.constant 0 : i32
      %ne3A_436 = arith.cmpi ne, %rem3A_434, %ne3A_435 : i32
      %lt3A = arith.constant 0 : i32
      %lt3A_437 = arith.cmpi slt, %rem3A_434, %lt3A : i32
      %lt3A_438 = arith.constant 0 : i32
      %lt3A_439 = arith.cmpi slt, %select_n3A_433, %lt3A_438 : i32
      %ne3A_440 = arith.xori %lt3A_437, %lt3A_439 : i1
      %and3A_441 = arith.andi %ne3A_440, %ne3A_436 : i1
      %add3A_442 = arith.addi %rem3A_434, %select_n3A_433 : i32
      %select_n3A_443 = arith.select %and3A_441, %add3A_442, %rem3A_434 : i32
      %mul3A_444 = arith.constant 16 : i32
      %mul3A_445 = arith.muli %select_n3A_443, %mul3A_444 : i32
      %broadcast_in_dim3A = arith.constant 0.000000e+00 : f32
      %broadcast_in_dim3A_446 = vector.broadcast %broadcast_in_dim3A : f32 to vector<16xf32>
      %swap3A = arith.index_cast %select_n3A : i32 to index
      %swap3A_447 = arith.index_cast %mul3A_445 : i32 to index
      %swap3A_448 = tpu.vector_load %arg17[%swap3A, %swap3A_447] {strides = array<i32>} : memref<128x128xf32, #tpu.memory_space<vmem>>, vector<1x16xf32>,
      %swap3A_449 = vector.shape_cast %swap3A_448 : vector<1x16xf32> to vector<16xf32>
      %swap3A_450 = vector.shape_cast %broadcast_in_dim3A_446 : vector<16xf32> to vector<1x16xf32>
      tpu.vector_store %arg17[%swap3A, %swap3A_447], %swap3A_450 {strides = array<i32>} : memref<128x128xf32, #tpu.memory_space<vmem>>, vector<1x16xf32>,
      %scan3A_451 = arith.constant 0 : i32
      scf.yield %scan3A_451 : i32
    }
    %scan3A_19 = arith.constant 1024 : i32
    %mul3A = arith.constant 262144 : i32
    %mul3A_20 = arith.muli %arg1, %mul3A : i32
    %add3A = arith.constant 0 : i32
    %add3A_21 = arith.addi %mul3A_20, %add3A : i32
    "tpu.region"() ({
      %run_scoped3A_412 = tpu.sem_alloc : memref<!tpu.dma_semaphore, #tpu.memory_space<semaphore_mem>>
      %dma_start3A_413 = tpu.memref_slice %arg5[%add3A_21] : memref<4194304xf32, #tpu.memory_space<hbm>> -> memref<16384xf32, #tpu.memory_space<hbm>>
      %dma_start3A_414 = tpu.memref_slice %arg5[%add3A_21] : memref<4194304xf32, #tpu.memory_space<hbm>> -> memref<16384xf32, #tpu.memory_space<hbm>>
      tpu.enqueue_dma source(%arg7 : memref<16384xf32, #tpu.memory_space<vmem>>) target(%dma_start3A_414 : memref<16384xf32, #tpu.memory_space<hbm>>) target_semaphore(%run_scoped3A_412 : memref<!tpu.dma_semaphore, #tpu.memory_space<semaphore_mem>>)
      %dma_wait3A_415 = tpu.memref_slice %arg5[%add3A_21] : memref<4194304xf32, #tpu.memory_space<hbm>> -> memref<16384xf32, #tpu.memory_space<hbm>>
      %dma_wait3A_416 = tpu.memref_slice %arg5[%add3A_21] : memref<4194304xf32, #tpu.memory_space<hbm>> -> memref<16384xf32, #tpu.memory_space<hbm>>
      tpu.wait_dma2 semaphore(%run_scoped3A_412 : memref<!tpu.dma_semaphore, #tpu.memory_space<semaphore_mem>>) src(%arg7 : memref<16384xf32, #tpu.memory_space<vmem>>) dst(%dma_wait3A_416 : memref<16384xf32, #tpu.memory_space<hbm>>)
      tpu.yield
    }) : () -> ()
    %add3A_22 = arith.constant 16384 : i32
    %add3A_23 = arith.addi %mul3A_20, %add3A_22 : i32
    "tpu.region"() ({
      %run_scoped3A_412 = tpu.sem_alloc : memref<!tpu.dma_semaphore, #tpu.memory_space<semaphore_mem>>
      %dma_start3A_413 = tpu.memref_slice %arg5[%add3A_23] : memref<4194304xf32, #tpu.memory_space<hbm>> -> memref<16384xf32, #tpu.memory_space<hbm>>
      %dma_start3A_414 = tpu.memref_slice %arg5[%add3A_23] : memref<4194304xf32, #tpu.memory_space<hbm>> -> memref<16384xf32, #tpu.memory_space<hbm>>
      tpu.enqueue_dma source(%arg7 : memref<16384xf32, #tpu.memory_space<vmem>>) target(%dma_start3A_414 : memref<16384xf32, #tpu.memory_space<hbm>>) target_semaphore(%run_scoped3A_412 : memref<!tpu.dma_semaphore, #tpu.memory_space<semaphore_mem>>)
      %dma_wait3A_415 = tpu.memref_slice %arg5[%add3A_23] : memref<4194304xf32, #tpu.memory_space<hbm>> -> memref<16384xf32, #tpu.memory_space<hbm>>
      %dma_wait3A_416 = tpu.memref_slice %arg5[%add3A_23] : memref<4194304xf32, #tpu.memory_space<hbm>> -> memref<16384xf32, #tpu.memory_space<hbm>>
      tpu.wait_dma2 semaphore(%run_scoped3A_412 : memref<!tpu.dma_semaphore, #tpu.memory_space<semaphore_mem>>) src(%arg7 : memref<16384xf32, #tpu.memory_space<vmem>>) dst(%dma_wait3A_416 : memref<16384xf32, #tpu.memory_space<hbm>>)
      tpu.yield
    }) : () -> ()
    %add3A_24 = arith.constant 32768 : i32
    %add3A_25 = arith.addi %mul3A_20, %add3A_24 : i32
    "tpu.region"() ({
      %run_scoped3A_412 = tpu.sem_alloc : memref<!tpu.dma_semaphore, #tpu.memory_space<semaphore_mem>>
      %dma_start3A_413 = tpu.memref_slice %arg5[%add3A_25] : memref<4194304xf32, #tpu.memory_space<hbm>> -> memref<16384xf32, #tpu.memory_space<hbm>>
      %dma_start3A_414 = tpu.memref_slice %arg5[%add3A_25] : memref<4194304xf32, #tpu.memory_space<hbm>> -> memref<16384xf32, #tpu.memory_space<hbm>>
      tpu.enqueue_dma source(%arg7 : memref<16384xf32, #tpu.memory_space<vmem>>) target(%dma_start3A_414 : memref<16384xf32, #tpu.memory_space<hbm>>) target_semaphore(%run_scoped3A_412 : memref<!tpu.dma_semaphore, #tpu.memory_space<semaphore_mem>>)
      %dma_wait3A_415 = tpu.memref_slice %arg5[%add3A_25] : memref<4194304xf32, #tpu.memory_space<hbm>> -> memref<16384xf32, #tpu.memory_space<hbm>>
      %dma_wait3A_416 = tpu.memref_slice %arg5[%add3A_25] : memref<4194304xf32, #tpu.memory_space<hbm>> -> memref<16384xf32, #tpu.memory_space<hbm>>
      tpu.wait_dma2 semaphore(%run_scoped3A_412 : memref<!tpu.dma_semaphore, #tpu.memory_space<semaphore_mem>>) src(%arg7 : memref<16384xf32, #tpu.memory_space<vmem>>) dst(%dma_wait3A_416 : memref<16384xf32, #tpu.memory_space<hbm>>)
      tpu.yield
    }) : () -> ()
    %add3A_26 = arith.constant 49152 : i32
    %add3A_27 = arith.addi %mul3A_20, %add3A_26 : i32
    "tpu.region"() ({
      %run_scoped3A_412 = tpu.sem_alloc : memref<!tpu.dma_semaphore, #tpu.memory_space<semaphore_mem>>
      %dma_start3A_413 = tpu.memref_slice %arg5[%add3A_27] : memref<4194304xf32, #tpu.memory_space<hbm>> -> memref<16384xf32, #tpu.memory_space<hbm>>
      %dma_start3A_414 = tpu.memref_slice %arg5[%add3A_27] : memref<4194304xf32, #tpu.memory_space<hbm>> -> memref<16384xf32, #tpu.memory_space<hbm>>
      tpu.enqueue_dma source(%arg7 : memref<16384xf32, #tpu.memory_space<vmem>>) target(%dma_start3A_414 : memref<16384xf32, #tpu.memory_space<hbm>>) target_semaphore(%run_scoped3A_412 : memref<!tpu.dma_semaphore, #tpu.memory_space<semaphore_mem>>)
      %dma_wait3A_415 = tpu.memref_slice %arg5[%add3A_27] : memref<4194304xf32, #tpu.memory_space<hbm>> -> memref<16384xf32, #tpu.memory_space<hbm>>
      %dma_wait3A_416 = tpu.memref_slice %arg5[%add3A_27] : memref<4194304xf32, #tpu.memory_space<hbm>> -> memref<16384xf32, #tpu.memory_space<hbm>>
      tpu.wait_dma2 semaphore(%run_scoped3A_412 : memref<!tpu.dma_semaphore, #tpu.memory_space<semaphore_mem>>) src(%arg7 : memref<16384xf32, #tpu.memory_space<vmem>>) dst(%dma_wait3A_416 : memref<16384xf32, #tpu.memory_space<hbm>>)
      tpu.yield
    }) : () -> ()
    %add3A_28 = arith.constant 65536 : i32
    %add3A_29 = arith.addi %mul3A_20, %add3A_28 : i32
    "tpu.region"() ({
      %run_scoped3A_412 = tpu.sem_alloc : memref<!tpu.dma_semaphore, #tpu.memory_space<semaphore_mem>>
      %dma_start3A_413 = tpu.memref_slice %arg5[%add3A_29] : memref<4194304xf32, #tpu.memory_space<hbm>> -> memref<16384xf32, #tpu.memory_space<hbm>>
      %dma_start3A_414 = tpu.memref_slice %arg5[%add3A_29] : memref<4194304xf32, #tpu.memory_space<hbm>> -> memref<16384xf32, #tpu.memory_space<hbm>>
      tpu.enqueue_dma source(%arg7 : memref<16384xf32, #tpu.memory_space<vmem>>) target(%dma_start3A_414 : memref<16384xf32, #tpu.memory_space<hbm>>) target_semaphore(%run_scoped3A_412 : memref<!tpu.dma_semaphore, #tpu.memory_space<semaphore_mem>>)
      %dma_wait3A_415 = tpu.memref_slice %arg5[%add3A_29] : memref<4194304xf32, #tpu.memory_space<hbm>> -> memref<16384xf32, #tpu.memory_space<hbm>>
      %dma_wait3A_416 = tpu.memref_slice %arg5[%add3A_29] : memref<4194304xf32, #tpu.memory_space<hbm>> -> memref<16384xf32, #tpu.memory_space<hbm>>
      tpu.wait_dma2 semaphore(%run_scoped3A_412 : memref<!tpu.dma_semaphore, #tpu.memory_space<semaphore_mem>>) src(%arg7 : memref<16384xf32, #tpu.memory_space<vmem>>) dst(%dma_wait3A_416 : memref<16384xf32, #tpu.memory_space<hbm>>)
      tpu.yield
    }) : () -> ()
    %add3A_30 = arith.constant 81920 : i32
    %add3A_31 = arith.addi %mul3A_20, %add3A_30 : i32
    "tpu.region"() ({
      %run_scoped3A_412 = tpu.sem_alloc : memref<!tpu.dma_semaphore, #tpu.memory_space<semaphore_mem>>
      %dma_start3A_413 = tpu.memref_slice %arg5[%add3A_31] : memref<4194304xf32, #tpu.memory_space<hbm>> -> memref<16384xf32, #tpu.memory_space<hbm>>
      %dma_start3A_414 = tpu.memref_slice %arg5[%add3A_31] : memref<4194304xf32, #tpu.memory_space<hbm>> -> memref<16384xf32, #tpu.memory_space<hbm>>
      tpu.enqueue_dma source(%arg7 : memref<16384xf32, #tpu.memory_space<vmem>>) target(%dma_start3A_414 : memref<16384xf32, #tpu.memory_space<hbm>>) target_semaphore(%run_scoped3A_412 : memref<!tpu.dma_semaphore, #tpu.memory_space<semaphore_mem>>)
      %dma_wait3A_415 = tpu.memref_slice %arg5[%add3A_31] : memref<4194304xf32, #tpu.memory_space<hbm>> -> memref<16384xf32, #tpu.memory_space<hbm>>
      %dma_wait3A_416 = tpu.memref_slice %arg5[%add3A_31] : memref<4194304xf32, #tpu.memory_space<hbm>> -> memref<16384xf32, #tpu.memory_space<hbm>>
      tpu.wait_dma2 semaphore(%run_scoped3A_412 : memref<!tpu.dma_semaphore, #tpu.memory_space<semaphore_mem>>) src(%arg7 : memref<16384xf32, #tpu.memory_space<vmem>>) dst(%dma_wait3A_416 : memref<16384xf32, #tpu.memory_space<hbm>>)
      tpu.yield
    }) : () -> ()
    %add3A_32 = arith.constant 98304 : i32
    %add3A_33 = arith.addi %mul3A_20, %add3A_32 : i32
    "tpu.region"() ({
      %run_scoped3A_412 = tpu.sem_alloc : memref<!tpu.dma_semaphore, #tpu.memory_space<semaphore_mem>>
      %dma_start3A_413 = tpu.memref_slice %arg5[%add3A_33] : memref<4194304xf32, #tpu.memory_space<hbm>> -> memref<16384xf32, #tpu.memory_space<hbm>>
      %dma_start3A_414 = tpu.memref_slice %arg5[%add3A_33] : memref<4194304xf32, #tpu.memory_space<hbm>> -> memref<16384xf32, #tpu.memory_space<hbm>>
      tpu.enqueue_dma source(%arg7 : memref<16384xf32, #tpu.memory_space<vmem>>) target(%dma_start3A_414 : memref<16384xf32, #tpu.memory_space<hbm>>) target_semaphore(%run_scoped3A_412 : memref<!tpu.dma_semaphore, #tpu.memory_space<semaphore_mem>>)
      %dma_wait3A_415 = tpu.memref_slice %arg5[%add3A_33] : memref<4194304xf32, #tpu.memory_space<hbm>> -> memref<16384xf32, #tpu.memory_space<hbm>>
      %dma_wait3A_416 = tpu.memref_slice %arg5[%add3A_33] : memref<4194304xf32, #tpu.memory_space<hbm>> -> memref<16384xf32, #tpu.memory_space<hbm>>
      tpu.wait_dma2 semaphore(%run_scoped3A_412 : memref<!tpu.dma_semaphore, #tpu.memory_space<semaphore_mem>>) src(%arg7 : memref<16384xf32, #tpu.memory_space<vmem>>) dst(%dma_wait3A_416 : memref<16384xf32, #tpu.memory_space<hbm>>)
      tpu.yield
    }) : () -> ()
    %add3A_34 = arith.constant 114688 : i32
    %add3A_35 = arith.addi %mul3A_20, %add3A_34 : i32
    "tpu.region"() ({
      %run_scoped3A_412 = tpu.sem_alloc : memref<!tpu.dma_semaphore, #tpu.memory_space<semaphore_mem>>
      %dma_start3A_413 = tpu.memref_slice %arg5[%add3A_35] : memref<4194304xf32, #tpu.memory_space<hbm>> -> memref<16384xf32, #tpu.memory_space<hbm>>
      %dma_start3A_414 = tpu.memref_slice %arg5[%add3A_35] : memref<4194304xf32, #tpu.memory_space<hbm>> -> memref<16384xf32, #tpu.memory_space<hbm>>
      tpu.enqueue_dma source(%arg7 : memref<16384xf32, #tpu.memory_space<vmem>>) target(%dma_start3A_414 : memref<16384xf32, #tpu.memory_space<hbm>>) target_semaphore(%run_scoped3A_412 : memref<!tpu.dma_semaphore, #tpu.memory_space<semaphore_mem>>)
      %dma_wait3A_415 = tpu.memref_slice %arg5[%add3A_35] : memref<4194304xf32, #tpu.memory_space<hbm>> -> memref<16384xf32, #tpu.memory_space<hbm>>
      %dma_wait3A_416 = tpu.memref_slice %arg5[%add3A_35] : memref<4194304xf32, #tpu.memory_space<hbm>> -> memref<16384xf32, #tpu.memory_space<hbm>>
      tpu.wait_dma2 semaphore(%run_scoped3A_412 : memref<!tpu.dma_semaphore, #tpu.memory_space<semaphore_mem>>) src(%arg7 : memref<16384xf32, #tpu.memory_space<vmem>>) dst(%dma_wait3A_416 : memref<16384xf32, #tpu.memory_space<hbm>>)
      tpu.yield
    }) : () -> ()
    %add3A_36 = arith.constant 131072 : i32
    %add3A_37 = arith.addi %mul3A_20, %add3A_36 : i32
    "tpu.region"() ({
      %run_scoped3A_412 = tpu.sem_alloc : memref<!tpu.dma_semaphore, #tpu.memory_space<semaphore_mem>>
      %dma_start3A_413 = tpu.memref_slice %arg5[%add3A_37] : memref<4194304xf32, #tpu.memory_space<hbm>> -> memref<16384xf32, #tpu.memory_space<hbm>>
      %dma_start3A_414 = tpu.memref_slice %arg5[%add3A_37] : memref<4194304xf32, #tpu.memory_space<hbm>> -> memref<16384xf32, #tpu.memory_space<hbm>>
      tpu.enqueue_dma source(%arg7 : memref<16384xf32, #tpu.memory_space<vmem>>) target(%dma_start3A_414 : memref<16384xf32, #tpu.memory_space<hbm>>) target_semaphore(%run_scoped3A_412 : memref<!tpu.dma_semaphore, #tpu.memory_space<semaphore_mem>>)
      %dma_wait3A_415 = tpu.memref_slice %arg5[%add3A_37] : memref<4194304xf32, #tpu.memory_space<hbm>> -> memref<16384xf32, #tpu.memory_space<hbm>>
      %dma_wait3A_416 = tpu.memref_slice %arg5[%add3A_37] : memref<4194304xf32, #tpu.memory_space<hbm>> -> memref<16384xf32, #tpu.memory_space<hbm>>
      tpu.wait_dma2 semaphore(%run_scoped3A_412 : memref<!tpu.dma_semaphore, #tpu.memory_space<semaphore_mem>>) src(%arg7 : memref<16384xf32, #tpu.memory_space<vmem>>) dst(%dma_wait3A_416 : memref<16384xf32, #tpu.memory_space<hbm>>)
      tpu.yield
    }) : () -> ()
    %add3A_38 = arith.constant 147456 : i32
    %add3A_39 = arith.addi %mul3A_20, %add3A_38 : i32
    "tpu.region"() ({
      %run_scoped3A_412 = tpu.sem_alloc : memref<!tpu.dma_semaphore, #tpu.memory_space<semaphore_mem>>
      %dma_start3A_413 = tpu.memref_slice %arg5[%add3A_39] : memref<4194304xf32, #tpu.memory_space<hbm>> -> memref<16384xf32, #tpu.memory_space<hbm>>
      %dma_start3A_414 = tpu.memref_slice %arg5[%add3A_39] : memref<4194304xf32, #tpu.memory_space<hbm>> -> memref<16384xf32, #tpu.memory_space<hbm>>
      tpu.enqueue_dma source(%arg7 : memref<16384xf32, #tpu.memory_space<vmem>>) target(%dma_start3A_414 : memref<16384xf32, #tpu.memory_space<hbm>>) target_semaphore(%run_scoped3A_412 : memref<!tpu.dma_semaphore, #tpu.memory_space<semaphore_mem>>)
      %dma_wait3A_415 = tpu.memref_slice %arg5[%add3A_39] : memref<4194304xf32, #tpu.memory_space<hbm>> -> memref<16384xf32, #tpu.memory_space<hbm>>
      %dma_wait3A_416 = tpu.memref_slice %arg5[%add3A_39] : memref<4194304xf32, #tpu.memory_space<hbm>> -> memref<16384xf32, #tpu.memory_space<hbm>>
      tpu.wait_dma2 semaphore(%run_scoped3A_412 : memref<!tpu.dma_semaphore, #tpu.memory_space<semaphore_mem>>) src(%arg7 : memref<16384xf32, #tpu.memory_space<vmem>>) dst(%dma_wait3A_416 : memref<16384xf32, #tpu.memory_space<hbm>>)
      tpu.yield
    }) : () -> ()
    %add3A_40 = arith.constant 163840 : i32
    %add3A_41 = arith.addi %mul3A_20, %add3A_40 : i32
    "tpu.region"() ({
      %run_scoped3A_412 = tpu.sem_alloc : memref<!tpu.dma_semaphore, #tpu.memory_space<semaphore_mem>>
      %dma_start3A_413 = tpu.memref_slice %arg5[%add3A_41] : memref<4194304xf32, #tpu.memory_space<hbm>> -> memref<16384xf32, #tpu.memory_space<hbm>>
      %dma_start3A_414 = tpu.memref_slice %arg5[%add3A_41] : memref<4194304xf32, #tpu.memory_space<hbm>> -> memref<16384xf32, #tpu.memory_space<hbm>>
      tpu.enqueue_dma source(%arg7 : memref<16384xf32, #tpu.memory_space<vmem>>) target(%dma_start3A_414 : memref<16384xf32, #tpu.memory_space<hbm>>) target_semaphore(%run_scoped3A_412 : memref<!tpu.dma_semaphore, #tpu.memory_space<semaphore_mem>>)
      %dma_wait3A_415 = tpu.memref_slice %arg5[%add3A_41] : memref<4194304xf32, #tpu.memory_space<hbm>> -> memref<16384xf32, #tpu.memory_space<hbm>>
      %dma_wait3A_416 = tpu.memref_slice %arg5[%add3A_41] : memref<4194304xf32, #tpu.memory_space<hbm>> -> memref<16384xf32, #tpu.memory_space<hbm>>
      tpu.wait_dma2 semaphore(%run_scoped3A_412 : memref<!tpu.dma_semaphore, #tpu.memory_space<semaphore_mem>>) src(%arg7 : memref<16384xf32, #tpu.memory_space<vmem>>) dst(%dma_wait3A_416 : memref<16384xf32, #tpu.memory_space<hbm>>)
      tpu.yield
    }) : () -> ()
    %add3A_42 = arith.constant 180224 : i32
    %add3A_43 = arith.addi %mul3A_20, %add3A_42 : i32
    "tpu.region"() ({
      %run_scoped3A_412 = tpu.sem_alloc : memref<!tpu.dma_semaphore, #tpu.memory_space<semaphore_mem>>
      %dma_start3A_413 = tpu.memref_slice %arg5[%add3A_43] : memref<4194304xf32, #tpu.memory_space<hbm>> -> memref<16384xf32, #tpu.memory_space<hbm>>
      %dma_start3A_414 = tpu.memref_slice %arg5[%add3A_43] : memref<4194304xf32, #tpu.memory_space<hbm>> -> memref<16384xf32, #tpu.memory_space<hbm>>
      tpu.enqueue_dma source(%arg7 : memref<16384xf32, #tpu.memory_space<vmem>>) target(%dma_start3A_414 : memref<16384xf32, #tpu.memory_space<hbm>>) target_semaphore(%run_scoped3A_412 : memref<!tpu.dma_semaphore, #tpu.memory_space<semaphore_mem>>)
      %dma_wait3A_415 = tpu.memref_slice %arg5[%add3A_43] : memref<4194304xf32, #tpu.memory_space<hbm>> -> memref<16384xf32, #tpu.memory_space<hbm>>
      %dma_wait3A_416 = tpu.memref_slice %arg5[%add3A_43] : memref<4194304xf32, #tpu.memory_space<hbm>> -> memref<16384xf32, #tpu.memory_space<hbm>>
      tpu.wait_dma2 semaphore(%run_scoped3A_412 : memref<!tpu.dma_semaphore, #tpu.memory_space<semaphore_mem>>) src(%arg7 : memref<16384xf32, #tpu.memory_space<vmem>>) dst(%dma_wait3A_416 : memref<16384xf32, #tpu.memory_space<hbm>>)
      tpu.yield
    }) : () -> ()
    %add3A_44 = arith.constant 196608 : i32
    %add3A_45 = arith.addi %mul3A_20, %add3A_44 : i32
    "tpu.region"() ({
      %run_scoped3A_412 = tpu.sem_alloc : memref<!tpu.dma_semaphore, #tpu.memory_space<semaphore_mem>>
      %dma_start3A_413 = tpu.memref_slice %arg5[%add3A_45] : memref<4194304xf32, #tpu.memory_space<hbm>> -> memref<16384xf32, #tpu.memory_space<hbm>>
      %dma_start3A_414 = tpu.memref_slice %arg5[%add3A_45] : memref<4194304xf32, #tpu.memory_space<hbm>> -> memref<16384xf32, #tpu.memory_space<hbm>>
      tpu.enqueue_dma source(%arg7 : memref<16384xf32, #tpu.memory_space<vmem>>) target(%dma_start3A_414 : memref<16384xf32, #tpu.memory_space<hbm>>) target_semaphore(%run_scoped3A_412 : memref<!tpu.dma_semaphore, #tpu.memory_space<semaphore_mem>>)
      %dma_wait3A_415 = tpu.memref_slice %arg5[%add3A_45] : memref<4194304xf32, #tpu.memory_space<hbm>> -> memref<16384xf32, #tpu.memory_space<hbm>>
      %dma_wait3A_416 = tpu.memref_slice %arg5[%add3A_45] : memref<4194304xf32, #tpu.memory_space<hbm>> -> memref<16384xf32, #tpu.memory_space<hbm>>
      tpu.wait_dma2 semaphore(%run_scoped3A_412 : memref<!tpu.dma_semaphore, #tpu.memory_space<semaphore_mem>>) src(%arg7 : memref<16384xf32, #tpu.memory_space<vmem>>) dst(%dma_wait3A_416 : memref<16384xf32, #tpu.memory_space<hbm>>)
      tpu.yield
    }) : () -> ()
    %add3A_46 = arith.constant 212992 : i32
    %add3A_47 = arith.addi %mul3A_20, %add3A_46 : i32
    "tpu.region"() ({
      %run_scoped3A_412 = tpu.sem_alloc : memref<!tpu.dma_semaphore, #tpu.memory_space<semaphore_mem>>
      %dma_start3A_413 = tpu.memref_slice %arg5[%add3A_47] : memref<4194304xf32, #tpu.memory_space<hbm>> -> memref<16384xf32, #tpu.memory_space<hbm>>
      %dma_start3A_414 = tpu.memref_slice %arg5[%add3A_47] : memref<4194304xf32, #tpu.memory_space<hbm>> -> memref<16384xf32, #tpu.memory_space<hbm>>
      tpu.enqueue_dma source(%arg7 : memref<16384xf32, #tpu.memory_space<vmem>>) target(%dma_start3A_414 : memref<16384xf32, #tpu.memory_space<hbm>>) target_semaphore(%run_scoped3A_412 : memref<!tpu.dma_semaphore, #tpu.memory_space<semaphore_mem>>)
      %dma_wait3A_415 = tpu.memref_slice %arg5[%add3A_47] : memref<4194304xf32, #tpu.memory_space<hbm>> -> memref<16384xf32, #tpu.memory_space<hbm>>
      %dma_wait3A_416 = tpu.memref_slice %arg5[%add3A_47] : memref<4194304xf32, #tpu.memory_space<hbm>> -> memref<16384xf32, #tpu.memory_space<hbm>>
      tpu.wait_dma2 semaphore(%run_scoped3A_412 : memref<!tpu.dma_semaphore, #tpu.memory_space<semaphore_mem>>) src(%arg7 : memref<16384xf32, #tpu.memory_space<vmem>>) dst(%dma_wait3A_416 : memref<16384xf32, #tpu.memory_space<hbm>>)
      tpu.yield
    }) : () -> ()
    %add3A_48 = arith.constant 229376 : i32
    %add3A_49 = arith.addi %mul3A_20, %add3A_48 : i32
    "tpu.region"() ({
      %run_scoped3A_412 = tpu.sem_alloc : memref<!tpu.dma_semaphore, #tpu.memory_space<semaphore_mem>>
      %dma_start3A_413 = tpu.memref_slice %arg5[%add3A_49] : memref<4194304xf32, #tpu.memory_space<hbm>> -> memref<16384xf32, #tpu.memory_space<hbm>>
      %dma_start3A_414 = tpu.memref_slice %arg5[%add3A_49] : memref<4194304xf32, #tpu.memory_space<hbm>> -> memref<16384xf32, #tpu.memory_space<hbm>>
      tpu.enqueue_dma source(%arg7 : memref<16384xf32, #tpu.memory_space<vmem>>) target(%dma_start3A_414 : memref<16384xf32, #tpu.memory_space<hbm>>) target_semaphore(%run_scoped3A_412 : memref<!tpu.dma_semaphore, #tpu.memory_space<semaphore_mem>>)
      %dma_wait3A_415 = tpu.memref_slice %arg5[%add3A_49] : memref<4194304xf32, #tpu.memory_space<hbm>> -> memref<16384xf32, #tpu.memory_space<hbm>>
      %dma_wait3A_416 = tpu.memref_slice %arg5[%add3A_49] : memref<4194304xf32, #tpu.memory_space<hbm>> -> memref<16384xf32, #tpu.memory_space<hbm>>
      tpu.wait_dma2 semaphore(%run_scoped3A_412 : memref<!tpu.dma_semaphore, #tpu.memory_space<semaphore_mem>>) src(%arg7 : memref<16384xf32, #tpu.memory_space<vmem>>) dst(%dma_wait3A_416 : memref<16384xf32, #tpu.memory_space<hbm>>)
      tpu.yield
    }) : () -> ()
    %add3A_50 = arith.constant 245760 : i32
    %add3A_51 = arith.addi %mul3A_20, %add3A_50 : i32
    "tpu.region"() ({
      %run_scoped3A_412 = tpu.sem_alloc : memref<!tpu.dma_semaphore, #tpu.memory_space<semaphore_mem>>
      %dma_start3A_413 = tpu.memref_slice %arg5[%add3A_51] : memref<4194304xf32, #tpu.memory_space<hbm>> -> memref<16384xf32, #tpu.memory_space<hbm>>
      %dma_start3A_414 = tpu.memref_slice %arg5[%add3A_51] : memref<4194304xf32, #tpu.memory_space<hbm>> -> memref<16384xf32, #tpu.memory_space<hbm>>
      tpu.enqueue_dma source(%arg7 : memref<16384xf32, #tpu.memory_space<vmem>>) target(%dma_start3A_414 : memref<16384xf32, #tpu.memory_space<hbm>>) target_semaphore(%run_scoped3A_412 : memref<!tpu.dma_semaphore, #tpu.memory_space<semaphore_mem>>)
      %dma_wait3A_415 = tpu.memref_slice %arg5[%add3A_51] : memref<4194304xf32, #tpu.memory_space<hbm>> -> memref<16384xf32, #tpu.memory_space<hbm>>
      %dma_wait3A_416 = tpu.memref_slice %arg5[%add3A_51] : memref<4194304xf32, #tpu.memory_space<hbm>> -> memref<16384xf32, #tpu.memory_space<hbm>>
      tpu.wait_dma2 semaphore(%run_scoped3A_412 : memref<!tpu.dma_semaphore, #tpu.memory_space<semaphore_mem>>) src(%arg7 : memref<16384xf32, #tpu.memory_space<vmem>>) dst(%dma_wait3A_416 : memref<16384xf32, #tpu.memory_space<hbm>>)
      tpu.yield
    }) : () -> ()
    %mul3A_52 = arith.constant 128 : i32
    %mul3A_53 = arith.muli %arg1, %mul3A_52 : i32
    "tpu.region"() ({
      %run_scoped3A_412 = tpu.sem_alloc : memref<!tpu.dma_semaphore, #tpu.memory_space<semaphore_mem>>
      %dma_start3A_413 = arith.constant 0 : i32
      %dma_start3A_414 = tpu.memref_slice %arg18[%mul3A_53, %dma_start3A_413] : memref<2048x128xf32, #tpu.memory_space<vmem_shared>> -> memref<128x128xf32, #tpu.memory_space<vmem_shared>>
      %dma_start3A_415 = arith.constant 0 : i32
      %dma_start3A_416 = tpu.memref_slice %arg18[%mul3A_53, %dma_start3A_415] : memref<2048x128xf32, #tpu.memory_space<vmem_shared>> -> memref<128x128xf32, #tpu.memory_space<vmem_shared>>
      tpu.enqueue_dma source(%arg17 : memref<128x128xf32, #tpu.memory_space<vmem>>) target(%dma_start3A_416 : memref<128x128xf32, #tpu.memory_space<vmem_shared>>) target_semaphore(%run_scoped3A_412 : memref<!tpu.dma_semaphore, #tpu.memory_space<semaphore_mem>>)
      %dma_wait3A_417 = arith.constant 0 : i32
      %dma_wait3A_418 = tpu.memref_slice %arg18[%mul3A_53, %dma_wait3A_417] : memref<2048x128xf32, #tpu.memory_space<vmem_shared>> -> memref<128x128xf32, #tpu.memory_space<vmem_shared>>
      %dma_wait3A_419 = arith.constant 0 : i32
      %dma_wait3A_420 = tpu.memref_slice %arg18[%mul3A_53, %dma_wait3A_419] : memref<2048x128xf32, #tpu.memory_space<vmem_shared>> -> memref<128x128xf32, #tpu.memory_space<vmem_shared>>
      tpu.wait_dma2 semaphore(%run_scoped3A_412 : memref<!tpu.dma_semaphore, #tpu.memory_space<semaphore_mem>>) src(%arg17 : memref<128x128xf32, #tpu.memory_space<vmem>>) dst(%dma_wait3A_420 : memref<128x128xf32, #tpu.memory_space<vmem_shared>>)
      tpu.yield
    }) : () -> ()
    %mul3A_54 = arith.constant 2560 : i32
    %mul3A_55 = arith.muli %arg1, %mul3A_54 : i32
    %run_scoped3A = arith.constant 0 : i32
    "tpu.region"() ({
      %run_scoped3A_412 = tpu.sem_alloc : memref<!tpu.dma_semaphore, #tpu.memory_space<semaphore_mem>>
      %dma_start3A_413 = tpu.memref_slice %arg2[%run_scoped3A, %mul3A_55] : memref<2x40960xi32, #tpu.memory_space<hbm>> -> memref<1x2560xi32, #tpu.memory_space<hbm>>
      %dma_start3A_414 = tpu.memref_squeeze %dma_start3A_413 : memref<1x2560xi32, #tpu.memory_space<hbm>> -> memref<2560xi32, #tpu.memory_space<hbm>>
      %dma_start3A_415 = tpu.memref_slice %arg2[%run_scoped3A, %mul3A_55] : memref<2x40960xi32, #tpu.memory_space<hbm>> -> memref<1x2560xi32, #tpu.memory_space<hbm>>
      %dma_start3A_416 = tpu.memref_squeeze %dma_start3A_415 : memref<1x2560xi32, #tpu.memory_space<hbm>> -> memref<2560xi32, #tpu.memory_space<hbm>>
      tpu.enqueue_dma source(%dma_start3A_416 : memref<2560xi32, #tpu.memory_space<hbm>>) target(%arg9 : memref<2560xi32, #tpu.memory_space<vmem>>) target_semaphore(%run_scoped3A_412 : memref<!tpu.dma_semaphore, #tpu.memory_space<semaphore_mem>>)
      %dma_wait3A_417 = tpu.memref_slice %arg2[%run_scoped3A, %mul3A_55] : memref<2x40960xi32, #tpu.memory_space<hbm>> -> memref<1x2560xi32, #tpu.memory_space<hbm>>
      %dma_wait3A_418 = tpu.memref_squeeze %dma_wait3A_417 : memref<1x2560xi32, #tpu.memory_space<hbm>> -> memref<2560xi32, #tpu.memory_space<hbm>>
      %dma_wait3A_419 = tpu.memref_slice %arg2[%run_scoped3A, %mul3A_55] : memref<2x40960xi32, #tpu.memory_space<hbm>> -> memref<1x2560xi32, #tpu.memory_space<hbm>>
      %dma_wait3A_420 = tpu.memref_squeeze %dma_wait3A_419 : memref<1x2560xi32, #tpu.memory_space<hbm>> -> memref<2560xi32, #tpu.memory_space<hbm>>
      tpu.wait_dma2 semaphore(%run_scoped3A_412 : memref<!tpu.dma_semaphore, #tpu.memory_space<semaphore_mem>>) src(%dma_wait3A_420 : memref<2560xi32, #tpu.memory_space<hbm>>) dst(%arg9 : memref<2560xi32, #tpu.memory_space<vmem>>)
      tpu.yield
    }) : () -> ()
    %mul3A_56 = arith.constant 2560 : i32
    %mul3A_57 = arith.muli %arg1, %mul3A_56 : i32
    %run_scoped3A_58 = arith.constant 1 : i32
    "tpu.region"() ({
      %run_scoped3A_412 = tpu.sem_alloc : memref<!tpu.dma_semaphore, #tpu.memory_space<semaphore_mem>>
      %dma_start3A_413 = tpu.memref_slice %arg2[%run_scoped3A_58, %mul3A_57] : memref<2x40960xi32, #tpu.memory_space<hbm>> -> memref<1x2560xi32, #tpu.memory_space<hbm>>
      %dma_start3A_414 = tpu.memref_squeeze %dma_start3A_413 : memref<1x2560xi32, #tpu.memory_space<hbm>> -> memref<2560xi32, #tpu.memory_space<hbm>>
      %dma_start3A_415 = tpu.memref_slice %arg2[%run_scoped3A_58, %mul3A_57] : memref<2x40960xi32, #tpu.memory_space<hbm>> -> memref<1x2560xi32, #tpu.memory_space<hbm>>
      %dma_start3A_416 = tpu.memref_squeeze %dma_start3A_415 : memref<1x2560xi32, #tpu.memory_space<hbm>> -> memref<2560xi32, #tpu.memory_space<hbm>>
      tpu.enqueue_dma source(%dma_start3A_416 : memref<2560xi32, #tpu.memory_space<hbm>>) target(%arg10 : memref<2560xi32, #tpu.memory_space<vmem>>) target_semaphore(%run_scoped3A_412 : memref<!tpu.dma_semaphore, #tpu.memory_space<semaphore_mem>>)
      %dma_wait3A_417 = tpu.memref_slice %arg2[%run_scoped3A_58, %mul3A_57] : memref<2x40960xi32, #tpu.memory_space<hbm>> -> memref<1x2560xi32, #tpu.memory_space<hbm>>
      %dma_wait3A_418 = tpu.memref_squeeze %dma_wait3A_417 : memref<1x2560xi32, #tpu.memory_space<hbm>> -> memref<2560xi32, #tpu.memory_space<hbm>>
      %dma_wait3A_419 = tpu.memref_slice %arg2[%run_scoped3A_58, %mul3A_57] : memref<2x40960xi32, #tpu.memory_space<hbm>> -> memref<1x2560xi32, #tpu.memory_space<hbm>>
      %dma_wait3A_420 = tpu.memref_squeeze %dma_wait3A_419 : memref<1x2560xi32, #tpu.memory_space<hbm>> -> memref<2560xi32, #tpu.memory_space<hbm>>
      tpu.wait_dma2 semaphore(%run_scoped3A_412 : memref<!tpu.dma_semaphore, #tpu.memory_space<semaphore_mem>>) src(%dma_wait3A_420 : memref<2560xi32, #tpu.memory_space<hbm>>) dst(%arg10 : memref<2560xi32, #tpu.memory_space<vmem>>)
      tpu.yield
    }) : () -> ()
    %scan3A_59 = arith.constant 0 : i32
    %scan3A_60 = arith.constant 0 : i32
    %scan3A_61 = arith.constant 160 : i32
    %scan3A_62 = arith.addi %scan3A_60, %scan3A_61 : i32
    %scan3A_63 = arith.constant 1 : i32
    %scan3A_64 = scf.for %scan3A_412 = %scan3A_60 to %scan3A_62 step %scan3A_63 iter_args(%scan3A_413 = %scan3A_59) -> (i32)  : i32 {
      %mul3A_414 = arith.constant 16 : i32
      %mul3A_415 = arith.muli %scan3A_412, %mul3A_414 : i32
      %get3A = arith.index_cast %mul3A_415 : i32 to index
      %get3A_416 = tpu.vector_load %arg9[%get3A] {strides = array<i32>} : memref<2560xi32, #tpu.memory_space<vmem>>, vector<16xi32>,
      %get3A_417 = vector.shape_cast %get3A_416 : vector<16xi32> to vector<16xi32>
      %mul3A_418 = arith.constant 16 : i32
      %mul3A_419 = arith.muli %scan3A_412, %mul3A_418 : i32
      %get3A_420 = arith.index_cast %mul3A_419 : i32 to index
      %get3A_421 = tpu.vector_load %arg10[%get3A_420] {strides = array<i32>} : memref<2560xi32, #tpu.memory_space<vmem>>, vector<16xi32>,
      %get3A_422 = vector.shape_cast %get3A_421 : vector<16xi32> to vector<16xi32>
      %mul3A_423 = arith.constant 2048 : i32
      %mul3A_424 = vector.broadcast %mul3A_423 : i32 to vector<16xi32>
      %mul3A_425 = arith.muli %get3A_417, %mul3A_424 : vector<16xi32>
      %add3A_426 = arith.addi %mul3A_425, %get3A_422 : vector<16xi32>
      %jit3A = arith.constant 8 : i32
      %div3A = arith.divsi %scan3A_412, %jit3A : i32
      %sign3A = arith.constant 0 : i32
      %sign3A_427 = arith.cmpi sgt, %scan3A_412, %sign3A : i32
      %sign3A_428 = arith.extui %sign3A_427 : i1 to i32
      %sign3A_429 = arith.constant 0 : i32
      %sign3A_430 = arith.cmpi slt, %scan3A_412, %sign3A_429 : i32
      %sign3A_431 = arith.extui %sign3A_430 : i1 to i32
      %sign3A_432 = arith.subi %sign3A_428, %sign3A_431 : i32
      %sign3A_433 = arith.constant 0 : i32
      %sign3A_434 = arith.cmpi sgt, %jit3A, %sign3A_433 : i32
      %sign3A_435 = arith.extui %sign3A_434 : i1 to i32
      %sign3A_436 = arith.constant 0 : i32
      %sign3A_437 = arith.cmpi slt, %jit3A, %sign3A_436 : i32
      %sign3A_438 = arith.extui %sign3A_437 : i1 to i32
      %sign3A_439 = arith.subi %sign3A_435, %sign3A_438 : i32
      %ne3A = arith.cmpi ne, %sign3A_432, %sign3A_439 : i32
      %rem3A = arith.remsi %scan3A_412, %jit3A : i32
      %ne3A_440 = arith.constant 0 : i32
      %ne3A_441 = arith.cmpi ne, %rem3A, %ne3A_440 : i32
      %and3A = arith.andi %ne3A, %ne3A_441 : i1
      %sub3A = arith.constant 1 : i32
      %sub3A_442 = arith.subi %div3A, %sub3A : i32
      %select_n3A = arith.select %and3A, %sub3A_442, %div3A : i32
      %jit3A_443 = arith.constant 8 : i32
      %eq3A = arith.constant 0 : i32
      %eq3A_444 = arith.cmpi eq, %jit3A_443, %eq3A : i32
      %jit3A_445 = arith.constant 1 : i32
      %select_n3A_446 = arith.select %eq3A_444, %jit3A_445, %jit3A_443 : i32
      %rem3A_447 = arith.remsi %scan3A_412, %select_n3A_446 : i32
      %ne3A_448 = arith.constant 0 : i32
      %ne3A_449 = arith.cmpi ne, %rem3A_447, %ne3A_448 : i32
      %lt3A = arith.constant 0 : i32
      %lt3A_450 = arith.cmpi slt, %rem3A_447, %lt3A : i32
      %lt3A_451 = arith.constant 0 : i32
      %lt3A_452 = arith.cmpi slt, %select_n3A_446, %lt3A_451 : i32
      %ne3A_453 = arith.xori %lt3A_450, %lt3A_452 : i1
      %and3A_454 = arith.andi %ne3A_453, %ne3A_449 : i1
      %add3A_455 = arith.addi %rem3A_447, %select_n3A_446 : i32
      %select_n3A_456 = arith.select %and3A_454, %add3A_455, %rem3A_447 : i32
      %mul3A_457 = arith.constant 16 : i32
      %mul3A_458 = arith.muli %select_n3A_456, %mul3A_457 : i32
      %swap3A = arith.index_cast %select_n3A : i32 to index
      %swap3A_459 = arith.index_cast %mul3A_458 : i32 to index
      %swap3A_460 = tpu.vector_load %arg11[%swap3A, %swap3A_459] {strides = array<i32>} : memref<20x128xi32, #tpu.memory_space<vmem>>, vector<1x16xi32>,
      %swap3A_461 = vector.shape_cast %swap3A_460 : vector<1x16xi32> to vector<16xi32>
      %swap3A_462 = vector.shape_cast %add3A_426 : vector<16xi32> to vector<1x16xi32>
      tpu.vector_store %arg11[%swap3A, %swap3A_459], %swap3A_462 {strides = array<i32>} : memref<20x128xi32, #tpu.memory_space<vmem>>, vector<1x16xi32>,
      %scan3A_463 = arith.constant 0 : i32
      scf.yield %scan3A_463 : i32
    }
    %scan3A_65 = arith.constant 160 : i32
    %mul3A_66 = arith.constant 768 : i32
    %mul3A_67 = arith.muli %arg1, %mul3A_66 : i32
    %run_scoped3A_68 = arith.constant 0 : i32
    "tpu.region"() ({
      %run_scoped3A_412 = tpu.sem_alloc : memref<!tpu.dma_semaphore, #tpu.memory_space<semaphore_mem>>
      %dma_start3A_413 = tpu.memref_slice %arg3[%run_scoped3A_68, %mul3A_67] : memref<2x12288xi32, #tpu.memory_space<hbm>> -> memref<1x768xi32, #tpu.memory_space<hbm>>
      %dma_start3A_414 = tpu.memref_squeeze %dma_start3A_413 : memref<1x768xi32, #tpu.memory_space<hbm>> -> memref<768xi32, #tpu.memory_space<hbm>>
      %dma_start3A_415 = tpu.memref_slice %arg3[%run_scoped3A_68, %mul3A_67] : memref<2x12288xi32, #tpu.memory_space<hbm>> -> memref<1x768xi32, #tpu.memory_space<hbm>>
      %dma_start3A_416 = tpu.memref_squeeze %dma_start3A_415 : memref<1x768xi32, #tpu.memory_space<hbm>> -> memref<768xi32, #tpu.memory_space<hbm>>
      tpu.enqueue_dma source(%dma_start3A_416 : memref<768xi32, #tpu.memory_space<hbm>>) target(%arg12 : memref<768xi32, #tpu.memory_space<vmem>>) target_semaphore(%run_scoped3A_412 : memref<!tpu.dma_semaphore, #tpu.memory_space<semaphore_mem>>)
      %dma_wait3A_417 = tpu.memref_slice %arg3[%run_scoped3A_68, %mul3A_67] : memref<2x12288xi32, #tpu.memory_space<hbm>> -> memref<1x768xi32, #tpu.memory_space<hbm>>
      %dma_wait3A_418 = tpu.memref_squeeze %dma_wait3A_417 : memref<1x768xi32, #tpu.memory_space<hbm>> -> memref<768xi32, #tpu.memory_space<hbm>>
      %dma_wait3A_419 = tpu.memref_slice %arg3[%run_scoped3A_68, %mul3A_67] : memref<2x12288xi32, #tpu.memory_space<hbm>> -> memref<1x768xi32, #tpu.memory_space<hbm>>
      %dma_wait3A_420 = tpu.memref_squeeze %dma_wait3A_419 : memref<1x768xi32, #tpu.memory_space<hbm>> -> memref<768xi32, #tpu.memory_space<hbm>>
      tpu.wait_dma2 semaphore(%run_scoped3A_412 : memref<!tpu.dma_semaphore, #tpu.memory_space<semaphore_mem>>) src(%dma_wait3A_420 : memref<768xi32, #tpu.memory_space<hbm>>) dst(%arg12 : memref<768xi32, #tpu.memory_space<vmem>>)
      tpu.yield
    }) : () -> ()
    %mul3A_69 = arith.constant 768 : i32
    %mul3A_70 = arith.muli %arg1, %mul3A_69 : i32
    %run_scoped3A_71 = arith.constant 1 : i32
    "tpu.region"() ({
      %run_scoped3A_412 = tpu.sem_alloc : memref<!tpu.dma_semaphore, #tpu.memory_space<semaphore_mem>>
      %dma_start3A_413 = tpu.memref_slice %arg3[%run_scoped3A_71, %mul3A_70] : memref<2x12288xi32, #tpu.memory_space<hbm>> -> memref<1x768xi32, #tpu.memory_space<hbm>>
      %dma_start3A_414 = tpu.memref_squeeze %dma_start3A_413 : memref<1x768xi32, #tpu.memory_space<hbm>> -> memref<768xi32, #tpu.memory_space<hbm>>
      %dma_start3A_415 = tpu.memref_slice %arg3[%run_scoped3A_71, %mul3A_70] : memref<2x12288xi32, #tpu.memory_space<hbm>> -> memref<1x768xi32, #tpu.memory_space<hbm>>
      %dma_start3A_416 = tpu.memref_squeeze %dma_start3A_415 : memref<1x768xi32, #tpu.memory_space<hbm>> -> memref<768xi32, #tpu.memory_space<hbm>>
      tpu.enqueue_dma source(%dma_start3A_416 : memref<768xi32, #tpu.memory_space<hbm>>) target(%arg13 : memref<768xi32, #tpu.memory_space<vmem>>) target_semaphore(%run_scoped3A_412 : memref<!tpu.dma_semaphore, #tpu.memory_space<semaphore_mem>>)
      %dma_wait3A_417 = tpu.memref_slice %arg3[%run_scoped3A_71, %mul3A_70] : memref<2x12288xi32, #tpu.memory_space<hbm>> -> memref<1x768xi32, #tpu.memory_space<hbm>>
      %dma_wait3A_418 = tpu.memref_squeeze %dma_wait3A_417 : memref<1x768xi32, #tpu.memory_space<hbm>> -> memref<768xi32, #tpu.memory_space<hbm>>
      %dma_wait3A_419 = tpu.memref_slice %arg3[%run_scoped3A_71, %mul3A_70] : memref<2x12288xi32, #tpu.memory_space<hbm>> -> memref<1x768xi32, #tpu.memory_space<hbm>>
      %dma_wait3A_420 = tpu.memref_squeeze %dma_wait3A_419 : memref<1x768xi32, #tpu.memory_space<hbm>> -> memref<768xi32, #tpu.memory_space<hbm>>
      tpu.wait_dma2 semaphore(%run_scoped3A_412 : memref<!tpu.dma_semaphore, #tpu.memory_space<semaphore_mem>>) src(%dma_wait3A_420 : memref<768xi32, #tpu.memory_space<hbm>>) dst(%arg13 : memref<768xi32, #tpu.memory_space<vmem>>)
      tpu.yield
    }) : () -> ()
    %scan3A_72 = arith.constant 0 : i32
    %scan3A_73 = arith.constant 0 : i32
    %scan3A_74 = arith.constant 48 : i32
    %scan3A_75 = arith.addi %scan3A_73, %scan3A_74 : i32
    %scan3A_76 = arith.constant 1 : i32
    %scan3A_77 = scf.for %scan3A_412 = %scan3A_73 to %scan3A_75 step %scan3A_76 iter_args(%scan3A_413 = %scan3A_72) -> (i32)  : i32 {
      %mul3A_414 = arith.constant 16 : i32
      %mul3A_415 = arith.muli %scan3A_412, %mul3A_414 : i32
      %get3A = arith.index_cast %mul3A_415 : i32 to index
      %get3A_416 = tpu.vector_load %arg12[%get3A] {strides = array<i32>} : memref<768xi32, #tpu.memory_space<vmem>>, vector<16xi32>,
      %get3A_417 = vector.shape_cast %get3A_416 : vector<16xi32> to vector<16xi32>
      %jit3A = arith.constant 8 : i32
      %div3A = arith.divsi %scan3A_412, %jit3A : i32
      %sign3A = arith.constant 0 : i32
      %sign3A_418 = arith.cmpi sgt, %scan3A_412, %sign3A : i32
      %sign3A_419 = arith.extui %sign3A_418 : i1 to i32
      %sign3A_420 = arith.constant 0 : i32
      %sign3A_421 = arith.cmpi slt, %scan3A_412, %sign3A_420 : i32
      %sign3A_422 = arith.extui %sign3A_421 : i1 to i32
      %sign3A_423 = arith.subi %sign3A_419, %sign3A_422 : i32
      %sign3A_424 = arith.constant 0 : i32
      %sign3A_425 = arith.cmpi sgt, %jit3A, %sign3A_424 : i32
      %sign3A_426 = arith.extui %sign3A_425 : i1 to i32
      %sign3A_427 = arith.constant 0 : i32
      %sign3A_428 = arith.cmpi slt, %jit3A, %sign3A_427 : i32
      %sign3A_429 = arith.extui %sign3A_428 : i1 to i32
      %sign3A_430 = arith.subi %sign3A_426, %sign3A_429 : i32
      %ne3A = arith.cmpi ne, %sign3A_423, %sign3A_430 : i32
      %rem3A = arith.remsi %scan3A_412, %jit3A : i32
      %ne3A_431 = arith.constant 0 : i32
      %ne3A_432 = arith.cmpi ne, %rem3A, %ne3A_431 : i32
      %and3A = arith.andi %ne3A, %ne3A_432 : i1
      %sub3A = arith.constant 1 : i32
      %sub3A_433 = arith.subi %div3A, %sub3A : i32
      %select_n3A = arith.select %and3A, %sub3A_433, %div3A : i32
      %jit3A_434 = arith.constant 8 : i32
      %eq3A = arith.constant 0 : i32
      %eq3A_435 = arith.cmpi eq, %jit3A_434, %eq3A : i32
      %jit3A_436 = arith.constant 1 : i32
      %select_n3A_437 = arith.select %eq3A_435, %jit3A_436, %jit3A_434 : i32
      %rem3A_438 = arith.remsi %scan3A_412, %select_n3A_437 : i32
      %ne3A_439 = arith.constant 0 : i32
      %ne3A_440 = arith.cmpi ne, %rem3A_438, %ne3A_439 : i32
      %lt3A = arith.constant 0 : i32
      %lt3A_441 = arith.cmpi slt, %rem3A_438, %lt3A : i32
      %lt3A_442 = arith.constant 0 : i32
      %lt3A_443 = arith.cmpi slt, %select_n3A_437, %lt3A_442 : i32
      %ne3A_444 = arith.xori %lt3A_441, %lt3A_443 : i1
      %and3A_445 = arith.andi %ne3A_444, %ne3A_440 : i1
      %add3A_446 = arith.addi %rem3A_438, %select_n3A_437 : i32
      %select_n3A_447 = arith.select %and3A_445, %add3A_446, %rem3A_438 : i32
      %mul3A_448 = arith.constant 16 : i32
      %mul3A_449 = arith.muli %select_n3A_447, %mul3A_448 : i32
      %swap3A = arith.index_cast %select_n3A : i32 to index
      %swap3A_450 = arith.index_cast %mul3A_449 : i32 to index
      %swap3A_451 = tpu.vector_load %arg14[%swap3A, %swap3A_450] {strides = array<i32>} : memref<6x128xi32, #tpu.memory_space<vmem>>, vector<1x16xi32>,
      %swap3A_452 = vector.shape_cast %swap3A_451 : vector<1x16xi32> to vector<16xi32>
      %swap3A_453 = vector.shape_cast %get3A_417 : vector<16xi32> to vector<1x16xi32>
      tpu.vector_store %arg14[%swap3A, %swap3A_450], %swap3A_453 {strides = array<i32>} : memref<6x128xi32, #tpu.memory_space<vmem>>, vector<1x16xi32>,
      %mul3A_454 = arith.constant 16 : i32
      %mul3A_455 = arith.muli %scan3A_412, %mul3A_454 : i32
      %get3A_456 = arith.index_cast %mul3A_455 : i32 to index
      %get3A_457 = tpu.vector_load %arg13[%get3A_456] {strides = array<i32>} : memref<768xi32, #tpu.memory_space<vmem>>, vector<16xi32>,
      %get3A_458 = vector.shape_cast %get3A_457 : vector<16xi32> to vector<16xi32>
      %jit3A_459 = arith.constant 8 : i32
      %div3A_460 = arith.divsi %scan3A_412, %jit3A_459 : i32
      %sign3A_461 = arith.constant 0 : i32
      %sign3A_462 = arith.cmpi sgt, %scan3A_412, %sign3A_461 : i32
      %sign3A_463 = arith.extui %sign3A_462 : i1 to i32
      %sign3A_464 = arith.constant 0 : i32
      %sign3A_465 = arith.cmpi slt, %scan3A_412, %sign3A_464 : i32
      %sign3A_466 = arith.extui %sign3A_465 : i1 to i32
      %sign3A_467 = arith.subi %sign3A_463, %sign3A_466 : i32
      %sign3A_468 = arith.constant 0 : i32
      %sign3A_469 = arith.cmpi sgt, %jit3A_459, %sign3A_468 : i32
      %sign3A_470 = arith.extui %sign3A_469 : i1 to i32
      %sign3A_471 = arith.constant 0 : i32
      %sign3A_472 = arith.cmpi slt, %jit3A_459, %sign3A_471 : i32
      %sign3A_473 = arith.extui %sign3A_472 : i1 to i32
      %sign3A_474 = arith.subi %sign3A_470, %sign3A_473 : i32
      %ne3A_475 = arith.cmpi ne, %sign3A_467, %sign3A_474 : i32
      %rem3A_476 = arith.remsi %scan3A_412, %jit3A_459 : i32
      %ne3A_477 = arith.constant 0 : i32
      %ne3A_478 = arith.cmpi ne, %rem3A_476, %ne3A_477 : i32
      %and3A_479 = arith.andi %ne3A_475, %ne3A_478 : i1
      %sub3A_480 = arith.constant 1 : i32
      %sub3A_481 = arith.subi %div3A_460, %sub3A_480 : i32
      %select_n3A_482 = arith.select %and3A_479, %sub3A_481, %div3A_460 : i32
      %jit3A_483 = arith.constant 8 : i32
      %eq3A_484 = arith.constant 0 : i32
      %eq3A_485 = arith.cmpi eq, %jit3A_483, %eq3A_484 : i32
      %jit3A_486 = arith.constant 1 : i32
      %select_n3A_487 = arith.select %eq3A_485, %jit3A_486, %jit3A_483 : i32
      %rem3A_488 = arith.remsi %scan3A_412, %select_n3A_487 : i32
      %ne3A_489 = arith.constant 0 : i32
      %ne3A_490 = arith.cmpi ne, %rem3A_488, %ne3A_489 : i32
      %lt3A_491 = arith.constant 0 : i32
      %lt3A_492 = arith.cmpi slt, %rem3A_488, %lt3A_491 : i32
      %lt3A_493 = arith.constant 0 : i32
      %lt3A_494 = arith.cmpi slt, %select_n3A_487, %lt3A_493 : i32
      %ne3A_495 = arith.xori %lt3A_492, %lt3A_494 : i1
      %and3A_496 = arith.andi %ne3A_495, %ne3A_490 : i1
      %add3A_497 = arith.addi %rem3A_488, %select_n3A_487 : i32
      %select_n3A_498 = arith.select %and3A_496, %add3A_497, %rem3A_488 : i32
      %mul3A_499 = arith.constant 16 : i32
      %mul3A_500 = arith.muli %select_n3A_498, %mul3A_499 : i32
      %swap3A_501 = arith.index_cast %select_n3A_482 : i32 to index
      %swap3A_502 = arith.index_cast %mul3A_500 : i32 to index
      %swap3A_503 = tpu.vector_load %arg15[%swap3A_501, %swap3A_502] {strides = array<i32>} : memref<6x128xi32, #tpu.memory_space<vmem>>, vector<1x16xi32>,
      %swap3A_504 = vector.shape_cast %swap3A_503 : vector<1x16xi32> to vector<16xi32>
      %swap3A_505 = vector.shape_cast %get3A_458 : vector<16xi32> to vector<1x16xi32>
      tpu.vector_store %arg15[%swap3A_501, %swap3A_502], %swap3A_505 {strides = array<i32>} : memref<6x128xi32, #tpu.memory_space<vmem>>, vector<1x16xi32>,
      %scan3A_506 = arith.constant 0 : i32
      scf.yield %scan3A_506 : i32
    }
    %scan3A_78 = arith.constant 48 : i32
    %barrier3A = arith.constant 0 : index
    tpu.barrier barrier_id(%barrier3A)
    %dma_start3A = arith.constant 0 : i32
    %dma_start3A_79 = arith.constant 0 : i32
    %dma_start3A_80 = tpu.memref_slice %arg11[%dma_start3A, %dma_start3A_79] : memref<20x128xi32, #tpu.memory_space<vmem>> -> memref<1x128xi32, #tpu.memory_space<vmem>>
    %dma_start3A_81 = tpu.memref_squeeze %dma_start3A_80 : memref<1x128xi32, #tpu.memory_space<vmem>> -> memref<128xi32, #tpu.memory_space<vmem>>
    %dma_start3A_82 = arith.constant 0 : i32
    %dma_start3A_83 = tpu.memref_slice %arg5[%dma_start3A_82] : memref<4194304xf32, #tpu.memory_space<hbm>> -> memref<4194304xf32, #tpu.memory_space<hbm>>
    tpu.enqueue_indirect_dma source(%arg8 : memref<128xf32, #tpu.memory_space<vmem>>) target(%dma_start3A_83 : memref<4194304xf32, #tpu.memory_space<hbm>>) offsets(%dma_start3A_81 : memref<128xi32, #tpu.memory_space<vmem>>) semaphore(%arg19 : memref<!tpu.dma_semaphore, #tpu.memory_space<semaphore_mem>>)
    %dma_start3A_84 = arith.constant 1 : i32
    %dma_start3A_85 = arith.constant 0 : i32
    %dma_start3A_86 = tpu.memref_slice %arg11[%dma_start3A_84, %dma_start3A_85] : memref<20x128xi32, #tpu.memory_space<vmem>> -> memref<1x128xi32, #tpu.memory_space<vmem>>
    %dma_start3A_87 = tpu.memref_squeeze %dma_start3A_86 : memref<1x128xi32, #tpu.memory_space<vmem>> -> memref<128xi32, #tpu.memory_space<vmem>>
    %dma_start3A_88 = arith.constant 0 : i32
    %dma_start3A_89 = tpu.memref_slice %arg5[%dma_start3A_88] : memref<4194304xf32, #tpu.memory_space<hbm>> -> memref<4194304xf32, #tpu.memory_space<hbm>>
    tpu.enqueue_indirect_dma source(%arg8 : memref<128xf32, #tpu.memory_space<vmem>>) target(%dma_start3A_89 : memref<4194304xf32, #tpu.memory_space<hbm>>) offsets(%dma_start3A_87 : memref<128xi32, #tpu.memory_space<vmem>>) semaphore(%arg19 : memref<!tpu.dma_semaphore, #tpu.memory_space<semaphore_mem>>)
    %dma_start3A_90 = arith.constant 2 : i32
    %dma_start3A_91 = arith.constant 0 : i32
    %dma_start3A_92 = tpu.memref_slice %arg11[%dma_start3A_90, %dma_start3A_91] : memref<20x128xi32, #tpu.memory_space<vmem>> -> memref<1x128xi32, #tpu.memory_space<vmem>>
    %dma_start3A_93 = tpu.memref_squeeze %dma_start3A_92 : memref<1x128xi32, #tpu.memory_space<vmem>> -> memref<128xi32, #tpu.memory_space<vmem>>
    %dma_start3A_94 = arith.constant 0 : i32
    %dma_start3A_95 = tpu.memref_slice %arg5[%dma_start3A_94] : memref<4194304xf32, #tpu.memory_space<hbm>> -> memref<4194304xf32, #tpu.memory_space<hbm>>
    tpu.enqueue_indirect_dma source(%arg8 : memref<128xf32, #tpu.memory_space<vmem>>) target(%dma_start3A_95 : memref<4194304xf32, #tpu.memory_space<hbm>>) offsets(%dma_start3A_93 : memref<128xi32, #tpu.memory_space<vmem>>) semaphore(%arg19 : memref<!tpu.dma_semaphore, #tpu.memory_space<semaphore_mem>>)
    %dma_start3A_96 = arith.constant 3 : i32
    %dma_start3A_97 = arith.constant 0 : i32
    %dma_start3A_98 = tpu.memref_slice %arg11[%dma_start3A_96, %dma_start3A_97] : memref<20x128xi32, #tpu.memory_space<vmem>> -> memref<1x128xi32, #tpu.memory_space<vmem>>
    %dma_start3A_99 = tpu.memref_squeeze %dma_start3A_98 : memref<1x128xi32, #tpu.memory_space<vmem>> -> memref<128xi32, #tpu.memory_space<vmem>>
    %dma_start3A_100 = arith.constant 0 : i32
    %dma_start3A_101 = tpu.memref_slice %arg5[%dma_start3A_100] : memref<4194304xf32, #tpu.memory_space<hbm>> -> memref<4194304xf32, #tpu.memory_space<hbm>>
    tpu.enqueue_indirect_dma source(%arg8 : memref<128xf32, #tpu.memory_space<vmem>>) target(%dma_start3A_101 : memref<4194304xf32, #tpu.memory_space<hbm>>) offsets(%dma_start3A_99 : memref<128xi32, #tpu.memory_space<vmem>>) semaphore(%arg19 : memref<!tpu.dma_semaphore, #tpu.memory_space<semaphore_mem>>)
    %dma_start3A_102 = arith.constant 4 : i32
    %dma_start3A_103 = arith.constant 0 : i32
    %dma_start3A_104 = tpu.memref_slice %arg11[%dma_start3A_102, %dma_start3A_103] : memref<20x128xi32, #tpu.memory_space<vmem>> -> memref<1x128xi32, #tpu.memory_space<vmem>>
    %dma_start3A_105 = tpu.memref_squeeze %dma_start3A_104 : memref<1x128xi32, #tpu.memory_space<vmem>> -> memref<128xi32, #tpu.memory_space<vmem>>
    %dma_start3A_106 = arith.constant 0 : i32
    %dma_start3A_107 = tpu.memref_slice %arg5[%dma_start3A_106] : memref<4194304xf32, #tpu.memory_space<hbm>> -> memref<4194304xf32, #tpu.memory_space<hbm>>
    tpu.enqueue_indirect_dma source(%arg8 : memref<128xf32, #tpu.memory_space<vmem>>) target(%dma_start3A_107 : memref<4194304xf32, #tpu.memory_space<hbm>>) offsets(%dma_start3A_105 : memref<128xi32, #tpu.memory_space<vmem>>) semaphore(%arg19 : memref<!tpu.dma_semaphore, #tpu.memory_space<semaphore_mem>>)
    %dma_start3A_108 = arith.constant 5 : i32
    %dma_start3A_109 = arith.constant 0 : i32
    %dma_start3A_110 = tpu.memref_slice %arg11[%dma_start3A_108, %dma_start3A_109] : memref<20x128xi32, #tpu.memory_space<vmem>> -> memref<1x128xi32, #tpu.memory_space<vmem>>
    %dma_start3A_111 = tpu.memref_squeeze %dma_start3A_110 : memref<1x128xi32, #tpu.memory_space<vmem>> -> memref<128xi32, #tpu.memory_space<vmem>>
    %dma_start3A_112 = arith.constant 0 : i32
    %dma_start3A_113 = tpu.memref_slice %arg5[%dma_start3A_112] : memref<4194304xf32, #tpu.memory_space<hbm>> -> memref<4194304xf32, #tpu.memory_space<hbm>>
    tpu.enqueue_indirect_dma source(%arg8 : memref<128xf32, #tpu.memory_space<vmem>>) target(%dma_start3A_113 : memref<4194304xf32, #tpu.memory_space<hbm>>) offsets(%dma_start3A_111 : memref<128xi32, #tpu.memory_space<vmem>>) semaphore(%arg19 : memref<!tpu.dma_semaphore, #tpu.memory_space<semaphore_mem>>)
    %dma_start3A_114 = arith.constant 6 : i32
    %dma_start3A_115 = arith.constant 0 : i32
    %dma_start3A_116 = tpu.memref_slice %arg11[%dma_start3A_114, %dma_start3A_115] : memref<20x128xi32, #tpu.memory_space<vmem>> -> memref<1x128xi32, #tpu.memory_space<vmem>>
    %dma_start3A_117 = tpu.memref_squeeze %dma_start3A_116 : memref<1x128xi32, #tpu.memory_space<vmem>> -> memref<128xi32, #tpu.memory_space<vmem>>
    %dma_start3A_118 = arith.constant 0 : i32
    %dma_start3A_119 = tpu.memref_slice %arg5[%dma_start3A_118] : memref<4194304xf32, #tpu.memory_space<hbm>> -> memref<4194304xf32, #tpu.memory_space<hbm>>
    tpu.enqueue_indirect_dma source(%arg8 : memref<128xf32, #tpu.memory_space<vmem>>) target(%dma_start3A_119 : memref<4194304xf32, #tpu.memory_space<hbm>>) offsets(%dma_start3A_117 : memref<128xi32, #tpu.memory_space<vmem>>) semaphore(%arg19 : memref<!tpu.dma_semaphore, #tpu.memory_space<semaphore_mem>>)
    %dma_start3A_120 = arith.constant 7 : i32
    %dma_start3A_121 = arith.constant 0 : i32
    %dma_start3A_122 = tpu.memref_slice %arg11[%dma_start3A_120, %dma_start3A_121] : memref<20x128xi32, #tpu.memory_space<vmem>> -> memref<1x128xi32, #tpu.memory_space<vmem>>
    %dma_start3A_123 = tpu.memref_squeeze %dma_start3A_122 : memref<1x128xi32, #tpu.memory_space<vmem>> -> memref<128xi32, #tpu.memory_space<vmem>>
    %dma_start3A_124 = arith.constant 0 : i32
    %dma_start3A_125 = tpu.memref_slice %arg5[%dma_start3A_124] : memref<4194304xf32, #tpu.memory_space<hbm>> -> memref<4194304xf32, #tpu.memory_space<hbm>>
    tpu.enqueue_indirect_dma source(%arg8 : memref<128xf32, #tpu.memory_space<vmem>>) target(%dma_start3A_125 : memref<4194304xf32, #tpu.memory_space<hbm>>) offsets(%dma_start3A_123 : memref<128xi32, #tpu.memory_space<vmem>>) semaphore(%arg19 : memref<!tpu.dma_semaphore, #tpu.memory_space<semaphore_mem>>)
    %dma_start3A_126 = arith.constant 8 : i32
    %dma_start3A_127 = arith.constant 0 : i32
    %dma_start3A_128 = tpu.memref_slice %arg11[%dma_start3A_126, %dma_start3A_127] : memref<20x128xi32, #tpu.memory_space<vmem>> -> memref<1x128xi32, #tpu.memory_space<vmem>>
    %dma_start3A_129 = tpu.memref_squeeze %dma_start3A_128 : memref<1x128xi32, #tpu.memory_space<vmem>> -> memref<128xi32, #tpu.memory_space<vmem>>
    %dma_start3A_130 = arith.constant 0 : i32
    %dma_start3A_131 = tpu.memref_slice %arg5[%dma_start3A_130] : memref<4194304xf32, #tpu.memory_space<hbm>> -> memref<4194304xf32, #tpu.memory_space<hbm>>
    tpu.enqueue_indirect_dma source(%arg8 : memref<128xf32, #tpu.memory_space<vmem>>) target(%dma_start3A_131 : memref<4194304xf32, #tpu.memory_space<hbm>>) offsets(%dma_start3A_129 : memref<128xi32, #tpu.memory_space<vmem>>) semaphore(%arg19 : memref<!tpu.dma_semaphore, #tpu.memory_space<semaphore_mem>>)
    %dma_start3A_132 = arith.constant 9 : i32
    %dma_start3A_133 = arith.constant 0 : i32
    %dma_start3A_134 = tpu.memref_slice %arg11[%dma_start3A_132, %dma_start3A_133] : memref<20x128xi32, #tpu.memory_space<vmem>> -> memref<1x128xi32, #tpu.memory_space<vmem>>
    %dma_start3A_135 = tpu.memref_squeeze %dma_start3A_134 : memref<1x128xi32, #tpu.memory_space<vmem>> -> memref<128xi32, #tpu.memory_space<vmem>>
    %dma_start3A_136 = arith.constant 0 : i32
    %dma_start3A_137 = tpu.memref_slice %arg5[%dma_start3A_136] : memref<4194304xf32, #tpu.memory_space<hbm>> -> memref<4194304xf32, #tpu.memory_space<hbm>>
    tpu.enqueue_indirect_dma source(%arg8 : memref<128xf32, #tpu.memory_space<vmem>>) target(%dma_start3A_137 : memref<4194304xf32, #tpu.memory_space<hbm>>) offsets(%dma_start3A_135 : memref<128xi32, #tpu.memory_space<vmem>>) semaphore(%arg19 : memref<!tpu.dma_semaphore, #tpu.memory_space<semaphore_mem>>)
    %dma_start3A_138 = arith.constant 10 : i32
    %dma_start3A_139 = arith.constant 0 : i32
    %dma_start3A_140 = tpu.memref_slice %arg11[%dma_start3A_138, %dma_start3A_139] : memref<20x128xi32, #tpu.memory_space<vmem>> -> memref<1x128xi32, #tpu.memory_space<vmem>>
    %dma_start3A_141 = tpu.memref_squeeze %dma_start3A_140 : memref<1x128xi32, #tpu.memory_space<vmem>> -> memref<128xi32, #tpu.memory_space<vmem>>
    %dma_start3A_142 = arith.constant 0 : i32
    %dma_start3A_143 = tpu.memref_slice %arg5[%dma_start3A_142] : memref<4194304xf32, #tpu.memory_space<hbm>> -> memref<4194304xf32, #tpu.memory_space<hbm>>
    tpu.enqueue_indirect_dma source(%arg8 : memref<128xf32, #tpu.memory_space<vmem>>) target(%dma_start3A_143 : memref<4194304xf32, #tpu.memory_space<hbm>>) offsets(%dma_start3A_141 : memref<128xi32, #tpu.memory_space<vmem>>) semaphore(%arg19 : memref<!tpu.dma_semaphore, #tpu.memory_space<semaphore_mem>>)
    %dma_start3A_144 = arith.constant 11 : i32
    %dma_start3A_145 = arith.constant 0 : i32
    %dma_start3A_146 = tpu.memref_slice %arg11[%dma_start3A_144, %dma_start3A_145] : memref<20x128xi32, #tpu.memory_space<vmem>> -> memref<1x128xi32, #tpu.memory_space<vmem>>
    %dma_start3A_147 = tpu.memref_squeeze %dma_start3A_146 : memref<1x128xi32, #tpu.memory_space<vmem>> -> memref<128xi32, #tpu.memory_space<vmem>>
    %dma_start3A_148 = arith.constant 0 : i32
    %dma_start3A_149 = tpu.memref_slice %arg5[%dma_start3A_148] : memref<4194304xf32, #tpu.memory_space<hbm>> -> memref<4194304xf32, #tpu.memory_space<hbm>>
    tpu.enqueue_indirect_dma source(%arg8 : memref<128xf32, #tpu.memory_space<vmem>>) target(%dma_start3A_149 : memref<4194304xf32, #tpu.memory_space<hbm>>) offsets(%dma_start3A_147 : memref<128xi32, #tpu.memory_space<vmem>>) semaphore(%arg19 : memref<!tpu.dma_semaphore, #tpu.memory_space<semaphore_mem>>)
    %dma_start3A_150 = arith.constant 12 : i32
    %dma_start3A_151 = arith.constant 0 : i32
    %dma_start3A_152 = tpu.memref_slice %arg11[%dma_start3A_150, %dma_start3A_151] : memref<20x128xi32, #tpu.memory_space<vmem>> -> memref<1x128xi32, #tpu.memory_space<vmem>>
    %dma_start3A_153 = tpu.memref_squeeze %dma_start3A_152 : memref<1x128xi32, #tpu.memory_space<vmem>> -> memref<128xi32, #tpu.memory_space<vmem>>
    %dma_start3A_154 = arith.constant 0 : i32
    %dma_start3A_155 = tpu.memref_slice %arg5[%dma_start3A_154] : memref<4194304xf32, #tpu.memory_space<hbm>> -> memref<4194304xf32, #tpu.memory_space<hbm>>
    tpu.enqueue_indirect_dma source(%arg8 : memref<128xf32, #tpu.memory_space<vmem>>) target(%dma_start3A_155 : memref<4194304xf32, #tpu.memory_space<hbm>>) offsets(%dma_start3A_153 : memref<128xi32, #tpu.memory_space<vmem>>) semaphore(%arg19 : memref<!tpu.dma_semaphore, #tpu.memory_space<semaphore_mem>>)
    %dma_start3A_156 = arith.constant 13 : i32
    %dma_start3A_157 = arith.constant 0 : i32
    %dma_start3A_158 = tpu.memref_slice %arg11[%dma_start3A_156, %dma_start3A_157] : memref<20x128xi32, #tpu.memory_space<vmem>> -> memref<1x128xi32, #tpu.memory_space<vmem>>
    %dma_start3A_159 = tpu.memref_squeeze %dma_start3A_158 : memref<1x128xi32, #tpu.memory_space<vmem>> -> memref<128xi32, #tpu.memory_space<vmem>>
    %dma_start3A_160 = arith.constant 0 : i32
    %dma_start3A_161 = tpu.memref_slice %arg5[%dma_start3A_160] : memref<4194304xf32, #tpu.memory_space<hbm>> -> memref<4194304xf32, #tpu.memory_space<hbm>>
    tpu.enqueue_indirect_dma source(%arg8 : memref<128xf32, #tpu.memory_space<vmem>>) target(%dma_start3A_161 : memref<4194304xf32, #tpu.memory_space<hbm>>) offsets(%dma_start3A_159 : memref<128xi32, #tpu.memory_space<vmem>>) semaphore(%arg19 : memref<!tpu.dma_semaphore, #tpu.memory_space<semaphore_mem>>)
    %dma_start3A_162 = arith.constant 14 : i32
    %dma_start3A_163 = arith.constant 0 : i32
    %dma_start3A_164 = tpu.memref_slice %arg11[%dma_start3A_162, %dma_start3A_163] : memref<20x128xi32, #tpu.memory_space<vmem>> -> memref<1x128xi32, #tpu.memory_space<vmem>>
    %dma_start3A_165 = tpu.memref_squeeze %dma_start3A_164 : memref<1x128xi32, #tpu.memory_space<vmem>> -> memref<128xi32, #tpu.memory_space<vmem>>
    %dma_start3A_166 = arith.constant 0 : i32
    %dma_start3A_167 = tpu.memref_slice %arg5[%dma_start3A_166] : memref<4194304xf32, #tpu.memory_space<hbm>> -> memref<4194304xf32, #tpu.memory_space<hbm>>
    tpu.enqueue_indirect_dma source(%arg8 : memref<128xf32, #tpu.memory_space<vmem>>) target(%dma_start3A_167 : memref<4194304xf32, #tpu.memory_space<hbm>>) offsets(%dma_start3A_165 : memref<128xi32, #tpu.memory_space<vmem>>) semaphore(%arg19 : memref<!tpu.dma_semaphore, #tpu.memory_space<semaphore_mem>>)
    %dma_start3A_168 = arith.constant 15 : i32
    %dma_start3A_169 = arith.constant 0 : i32
    %dma_start3A_170 = tpu.memref_slice %arg11[%dma_start3A_168, %dma_start3A_169] : memref<20x128xi32, #tpu.memory_space<vmem>> -> memref<1x128xi32, #tpu.memory_space<vmem>>
    %dma_start3A_171 = tpu.memref_squeeze %dma_start3A_170 : memref<1x128xi32, #tpu.memory_space<vmem>> -> memref<128xi32, #tpu.memory_space<vmem>>
    %dma_start3A_172 = arith.constant 0 : i32
    %dma_start3A_173 = tpu.memref_slice %arg5[%dma_start3A_172] : memref<4194304xf32, #tpu.memory_space<hbm>> -> memref<4194304xf32, #tpu.memory_space<hbm>>
    tpu.enqueue_indirect_dma source(%arg8 : memref<128xf32, #tpu.memory_space<vmem>>) target(%dma_start3A_173 : memref<4194304xf32, #tpu.memory_space<hbm>>) offsets(%dma_start3A_171 : memref<128xi32, #tpu.memory_space<vmem>>) semaphore(%arg19 : memref<!tpu.dma_semaphore, #tpu.memory_space<semaphore_mem>>)
    %dma_start3A_174 = arith.constant 16 : i32
    %dma_start3A_175 = arith.constant 0 : i32
    %dma_start3A_176 = tpu.memref_slice %arg11[%dma_start3A_174, %dma_start3A_175] : memref<20x128xi32, #tpu.memory_space<vmem>> -> memref<1x128xi32, #tpu.memory_space<vmem>>
    %dma_start3A_177 = tpu.memref_squeeze %dma_start3A_176 : memref<1x128xi32, #tpu.memory_space<vmem>> -> memref<128xi32, #tpu.memory_space<vmem>>
    %dma_start3A_178 = arith.constant 0 : i32
    %dma_start3A_179 = tpu.memref_slice %arg5[%dma_start3A_178] : memref<4194304xf32, #tpu.memory_space<hbm>> -> memref<4194304xf32, #tpu.memory_space<hbm>>
    tpu.enqueue_indirect_dma source(%arg8 : memref<128xf32, #tpu.memory_space<vmem>>) target(%dma_start3A_179 : memref<4194304xf32, #tpu.memory_space<hbm>>) offsets(%dma_start3A_177 : memref<128xi32, #tpu.memory_space<vmem>>) semaphore(%arg19 : memref<!tpu.dma_semaphore, #tpu.memory_space<semaphore_mem>>)
    %dma_start3A_180 = arith.constant 17 : i32
    %dma_start3A_181 = arith.constant 0 : i32
    %dma_start3A_182 = tpu.memref_slice %arg11[%dma_start3A_180, %dma_start3A_181] : memref<20x128xi32, #tpu.memory_space<vmem>> -> memref<1x128xi32, #tpu.memory_space<vmem>>
    %dma_start3A_183 = tpu.memref_squeeze %dma_start3A_182 : memref<1x128xi32, #tpu.memory_space<vmem>> -> memref<128xi32, #tpu.memory_space<vmem>>
    %dma_start3A_184 = arith.constant 0 : i32
    %dma_start3A_185 = tpu.memref_slice %arg5[%dma_start3A_184] : memref<4194304xf32, #tpu.memory_space<hbm>> -> memref<4194304xf32, #tpu.memory_space<hbm>>
    tpu.enqueue_indirect_dma source(%arg8 : memref<128xf32, #tpu.memory_space<vmem>>) target(%dma_start3A_185 : memref<4194304xf32, #tpu.memory_space<hbm>>) offsets(%dma_start3A_183 : memref<128xi32, #tpu.memory_space<vmem>>) semaphore(%arg19 : memref<!tpu.dma_semaphore, #tpu.memory_space<semaphore_mem>>)
    %dma_start3A_186 = arith.constant 18 : i32
    %dma_start3A_187 = arith.constant 0 : i32
    %dma_start3A_188 = tpu.memref_slice %arg11[%dma_start3A_186, %dma_start3A_187] : memref<20x128xi32, #tpu.memory_space<vmem>> -> memref<1x128xi32, #tpu.memory_space<vmem>>
    %dma_start3A_189 = tpu.memref_squeeze %dma_start3A_188 : memref<1x128xi32, #tpu.memory_space<vmem>> -> memref<128xi32, #tpu.memory_space<vmem>>
    %dma_start3A_190 = arith.constant 0 : i32
    %dma_start3A_191 = tpu.memref_slice %arg5[%dma_start3A_190] : memref<4194304xf32, #tpu.memory_space<hbm>> -> memref<4194304xf32, #tpu.memory_space<hbm>>
    tpu.enqueue_indirect_dma source(%arg8 : memref<128xf32, #tpu.memory_space<vmem>>) target(%dma_start3A_191 : memref<4194304xf32, #tpu.memory_space<hbm>>) offsets(%dma_start3A_189 : memref<128xi32, #tpu.memory_space<vmem>>) semaphore(%arg19 : memref<!tpu.dma_semaphore, #tpu.memory_space<semaphore_mem>>)
    %dma_start3A_192 = arith.constant 19 : i32
    %dma_start3A_193 = arith.constant 0 : i32
    %dma_start3A_194 = tpu.memref_slice %arg11[%dma_start3A_192, %dma_start3A_193] : memref<20x128xi32, #tpu.memory_space<vmem>> -> memref<1x128xi32, #tpu.memory_space<vmem>>
    %dma_start3A_195 = tpu.memref_squeeze %dma_start3A_194 : memref<1x128xi32, #tpu.memory_space<vmem>> -> memref<128xi32, #tpu.memory_space<vmem>>
    %dma_start3A_196 = arith.constant 0 : i32
    %dma_start3A_197 = tpu.memref_slice %arg5[%dma_start3A_196] : memref<4194304xf32, #tpu.memory_space<hbm>> -> memref<4194304xf32, #tpu.memory_space<hbm>>
    tpu.enqueue_indirect_dma source(%arg8 : memref<128xf32, #tpu.memory_space<vmem>>) target(%dma_start3A_197 : memref<4194304xf32, #tpu.memory_space<hbm>>) offsets(%dma_start3A_195 : memref<128xi32, #tpu.memory_space<vmem>>) semaphore(%arg19 : memref<!tpu.dma_semaphore, #tpu.memory_space<semaphore_mem>>)
    %dma_wait3A = arith.constant 0 : i32
    %dma_wait3A_198 = arith.constant 0 : i32
    %dma_wait3A_199 = tpu.memref_slice %arg11[%dma_wait3A, %dma_wait3A_198] : memref<20x128xi32, #tpu.memory_space<vmem>> -> memref<1x128xi32, #tpu.memory_space<vmem>>
    %dma_wait3A_200 = tpu.memref_squeeze %dma_wait3A_199 : memref<1x128xi32, #tpu.memory_space<vmem>> -> memref<128xi32, #tpu.memory_space<vmem>>
    %dma_wait3A_201 = arith.constant 0 : i32
    %dma_wait3A_202 = tpu.memref_slice %arg5[%dma_wait3A_201] : memref<4194304xf32, #tpu.memory_space<hbm>> -> memref<4194304xf32, #tpu.memory_space<hbm>>
    tpu.wait_indirect_dma semaphore(%arg19 : memref<!tpu.dma_semaphore, #tpu.memory_space<semaphore_mem>>) src(%arg8 : memref<128xf32, #tpu.memory_space<vmem>>) dst(%dma_wait3A_202 : memref<4194304xf32, #tpu.memory_space<hbm>>)
    %dma_wait3A_203 = arith.constant 1 : i32
    %dma_wait3A_204 = arith.constant 0 : i32
    %dma_wait3A_205 = tpu.memref_slice %arg11[%dma_wait3A_203, %dma_wait3A_204] : memref<20x128xi32, #tpu.memory_space<vmem>> -> memref<1x128xi32, #tpu.memory_space<vmem>>
    %dma_wait3A_206 = tpu.memref_squeeze %dma_wait3A_205 : memref<1x128xi32, #tpu.memory_space<vmem>> -> memref<128xi32, #tpu.memory_space<vmem>>
    %dma_wait3A_207 = arith.constant 0 : i32
    %dma_wait3A_208 = tpu.memref_slice %arg5[%dma_wait3A_207] : memref<4194304xf32, #tpu.memory_space<hbm>> -> memref<4194304xf32, #tpu.memory_space<hbm>>
    tpu.wait_indirect_dma semaphore(%arg19 : memref<!tpu.dma_semaphore, #tpu.memory_space<semaphore_mem>>) src(%arg8 : memref<128xf32, #tpu.memory_space<vmem>>) dst(%dma_wait3A_208 : memref<4194304xf32, #tpu.memory_space<hbm>>)
    %dma_wait3A_209 = arith.constant 2 : i32
    %dma_wait3A_210 = arith.constant 0 : i32
    %dma_wait3A_211 = tpu.memref_slice %arg11[%dma_wait3A_209, %dma_wait3A_210] : memref<20x128xi32, #tpu.memory_space<vmem>> -> memref<1x128xi32, #tpu.memory_space<vmem>>
    %dma_wait3A_212 = tpu.memref_squeeze %dma_wait3A_211 : memref<1x128xi32, #tpu.memory_space<vmem>> -> memref<128xi32, #tpu.memory_space<vmem>>
    %dma_wait3A_213 = arith.constant 0 : i32
    %dma_wait3A_214 = tpu.memref_slice %arg5[%dma_wait3A_213] : memref<4194304xf32, #tpu.memory_space<hbm>> -> memref<4194304xf32, #tpu.memory_space<hbm>>
    tpu.wait_indirect_dma semaphore(%arg19 : memref<!tpu.dma_semaphore, #tpu.memory_space<semaphore_mem>>) src(%arg8 : memref<128xf32, #tpu.memory_space<vmem>>) dst(%dma_wait3A_214 : memref<4194304xf32, #tpu.memory_space<hbm>>)
    %dma_wait3A_215 = arith.constant 3 : i32
    %dma_wait3A_216 = arith.constant 0 : i32
    %dma_wait3A_217 = tpu.memref_slice %arg11[%dma_wait3A_215, %dma_wait3A_216] : memref<20x128xi32, #tpu.memory_space<vmem>> -> memref<1x128xi32, #tpu.memory_space<vmem>>
    %dma_wait3A_218 = tpu.memref_squeeze %dma_wait3A_217 : memref<1x128xi32, #tpu.memory_space<vmem>> -> memref<128xi32, #tpu.memory_space<vmem>>
    %dma_wait3A_219 = arith.constant 0 : i32
    %dma_wait3A_220 = tpu.memref_slice %arg5[%dma_wait3A_219] : memref<4194304xf32, #tpu.memory_space<hbm>> -> memref<4194304xf32, #tpu.memory_space<hbm>>
    tpu.wait_indirect_dma semaphore(%arg19 : memref<!tpu.dma_semaphore, #tpu.memory_space<semaphore_mem>>) src(%arg8 : memref<128xf32, #tpu.memory_space<vmem>>) dst(%dma_wait3A_220 : memref<4194304xf32, #tpu.memory_space<hbm>>)
    %dma_wait3A_221 = arith.constant 4 : i32
    %dma_wait3A_222 = arith.constant 0 : i32
    %dma_wait3A_223 = tpu.memref_slice %arg11[%dma_wait3A_221, %dma_wait3A_222] : memref<20x128xi32, #tpu.memory_space<vmem>> -> memref<1x128xi32, #tpu.memory_space<vmem>>
    %dma_wait3A_224 = tpu.memref_squeeze %dma_wait3A_223 : memref<1x128xi32, #tpu.memory_space<vmem>> -> memref<128xi32, #tpu.memory_space<vmem>>
    %dma_wait3A_225 = arith.constant 0 : i32
    %dma_wait3A_226 = tpu.memref_slice %arg5[%dma_wait3A_225] : memref<4194304xf32, #tpu.memory_space<hbm>> -> memref<4194304xf32, #tpu.memory_space<hbm>>
    tpu.wait_indirect_dma semaphore(%arg19 : memref<!tpu.dma_semaphore, #tpu.memory_space<semaphore_mem>>) src(%arg8 : memref<128xf32, #tpu.memory_space<vmem>>) dst(%dma_wait3A_226 : memref<4194304xf32, #tpu.memory_space<hbm>>)
    %dma_wait3A_227 = arith.constant 5 : i32
    %dma_wait3A_228 = arith.constant 0 : i32
    %dma_wait3A_229 = tpu.memref_slice %arg11[%dma_wait3A_227, %dma_wait3A_228] : memref<20x128xi32, #tpu.memory_space<vmem>> -> memref<1x128xi32, #tpu.memory_space<vmem>>
    %dma_wait3A_230 = tpu.memref_squeeze %dma_wait3A_229 : memref<1x128xi32, #tpu.memory_space<vmem>> -> memref<128xi32, #tpu.memory_space<vmem>>
    %dma_wait3A_231 = arith.constant 0 : i32
    %dma_wait3A_232 = tpu.memref_slice %arg5[%dma_wait3A_231] : memref<4194304xf32, #tpu.memory_space<hbm>> -> memref<4194304xf32, #tpu.memory_space<hbm>>
    tpu.wait_indirect_dma semaphore(%arg19 : memref<!tpu.dma_semaphore, #tpu.memory_space<semaphore_mem>>) src(%arg8 : memref<128xf32, #tpu.memory_space<vmem>>) dst(%dma_wait3A_232 : memref<4194304xf32, #tpu.memory_space<hbm>>)
    %dma_wait3A_233 = arith.constant 6 : i32
    %dma_wait3A_234 = arith.constant 0 : i32
    %dma_wait3A_235 = tpu.memref_slice %arg11[%dma_wait3A_233, %dma_wait3A_234] : memref<20x128xi32, #tpu.memory_space<vmem>> -> memref<1x128xi32, #tpu.memory_space<vmem>>
    %dma_wait3A_236 = tpu.memref_squeeze %dma_wait3A_235 : memref<1x128xi32, #tpu.memory_space<vmem>> -> memref<128xi32, #tpu.memory_space<vmem>>
    %dma_wait3A_237 = arith.constant 0 : i32
    %dma_wait3A_238 = tpu.memref_slice %arg5[%dma_wait3A_237] : memref<4194304xf32, #tpu.memory_space<hbm>> -> memref<4194304xf32, #tpu.memory_space<hbm>>
    tpu.wait_indirect_dma semaphore(%arg19 : memref<!tpu.dma_semaphore, #tpu.memory_space<semaphore_mem>>) src(%arg8 : memref<128xf32, #tpu.memory_space<vmem>>) dst(%dma_wait3A_238 : memref<4194304xf32, #tpu.memory_space<hbm>>)
    %dma_wait3A_239 = arith.constant 7 : i32
    %dma_wait3A_240 = arith.constant 0 : i32
    %dma_wait3A_241 = tpu.memref_slice %arg11[%dma_wait3A_239, %dma_wait3A_240] : memref<20x128xi32, #tpu.memory_space<vmem>> -> memref<1x128xi32, #tpu.memory_space<vmem>>
    %dma_wait3A_242 = tpu.memref_squeeze %dma_wait3A_241 : memref<1x128xi32, #tpu.memory_space<vmem>> -> memref<128xi32, #tpu.memory_space<vmem>>
    %dma_wait3A_243 = arith.constant 0 : i32
    %dma_wait3A_244 = tpu.memref_slice %arg5[%dma_wait3A_243] : memref<4194304xf32, #tpu.memory_space<hbm>> -> memref<4194304xf32, #tpu.memory_space<hbm>>
    tpu.wait_indirect_dma semaphore(%arg19 : memref<!tpu.dma_semaphore, #tpu.memory_space<semaphore_mem>>) src(%arg8 : memref<128xf32, #tpu.memory_space<vmem>>) dst(%dma_wait3A_244 : memref<4194304xf32, #tpu.memory_space<hbm>>)
    %dma_wait3A_245 = arith.constant 8 : i32
    %dma_wait3A_246 = arith.constant 0 : i32
    %dma_wait3A_247 = tpu.memref_slice %arg11[%dma_wait3A_245, %dma_wait3A_246] : memref<20x128xi32, #tpu.memory_space<vmem>> -> memref<1x128xi32, #tpu.memory_space<vmem>>
    %dma_wait3A_248 = tpu.memref_squeeze %dma_wait3A_247 : memref<1x128xi32, #tpu.memory_space<vmem>> -> memref<128xi32, #tpu.memory_space<vmem>>
    %dma_wait3A_249 = arith.constant 0 : i32
    %dma_wait3A_250 = tpu.memref_slice %arg5[%dma_wait3A_249] : memref<4194304xf32, #tpu.memory_space<hbm>> -> memref<4194304xf32, #tpu.memory_space<hbm>>
    tpu.wait_indirect_dma semaphore(%arg19 : memref<!tpu.dma_semaphore, #tpu.memory_space<semaphore_mem>>) src(%arg8 : memref<128xf32, #tpu.memory_space<vmem>>) dst(%dma_wait3A_250 : memref<4194304xf32, #tpu.memory_space<hbm>>)
    %dma_wait3A_251 = arith.constant 9 : i32
    %dma_wait3A_252 = arith.constant 0 : i32
    %dma_wait3A_253 = tpu.memref_slice %arg11[%dma_wait3A_251, %dma_wait3A_252] : memref<20x128xi32, #tpu.memory_space<vmem>> -> memref<1x128xi32, #tpu.memory_space<vmem>>
    %dma_wait3A_254 = tpu.memref_squeeze %dma_wait3A_253 : memref<1x128xi32, #tpu.memory_space<vmem>> -> memref<128xi32, #tpu.memory_space<vmem>>
    %dma_wait3A_255 = arith.constant 0 : i32
    %dma_wait3A_256 = tpu.memref_slice %arg5[%dma_wait3A_255] : memref<4194304xf32, #tpu.memory_space<hbm>> -> memref<4194304xf32, #tpu.memory_space<hbm>>
    tpu.wait_indirect_dma semaphore(%arg19 : memref<!tpu.dma_semaphore, #tpu.memory_space<semaphore_mem>>) src(%arg8 : memref<128xf32, #tpu.memory_space<vmem>>) dst(%dma_wait3A_256 : memref<4194304xf32, #tpu.memory_space<hbm>>)
    %dma_wait3A_257 = arith.constant 10 : i32
    %dma_wait3A_258 = arith.constant 0 : i32
    %dma_wait3A_259 = tpu.memref_slice %arg11[%dma_wait3A_257, %dma_wait3A_258] : memref<20x128xi32, #tpu.memory_space<vmem>> -> memref<1x128xi32, #tpu.memory_space<vmem>>
    %dma_wait3A_260 = tpu.memref_squeeze %dma_wait3A_259 : memref<1x128xi32, #tpu.memory_space<vmem>> -> memref<128xi32, #tpu.memory_space<vmem>>
    %dma_wait3A_261 = arith.constant 0 : i32
    %dma_wait3A_262 = tpu.memref_slice %arg5[%dma_wait3A_261] : memref<4194304xf32, #tpu.memory_space<hbm>> -> memref<4194304xf32, #tpu.memory_space<hbm>>
    tpu.wait_indirect_dma semaphore(%arg19 : memref<!tpu.dma_semaphore, #tpu.memory_space<semaphore_mem>>) src(%arg8 : memref<128xf32, #tpu.memory_space<vmem>>) dst(%dma_wait3A_262 : memref<4194304xf32, #tpu.memory_space<hbm>>)
    %dma_wait3A_263 = arith.constant 11 : i32
    %dma_wait3A_264 = arith.constant 0 : i32
    %dma_wait3A_265 = tpu.memref_slice %arg11[%dma_wait3A_263, %dma_wait3A_264] : memref<20x128xi32, #tpu.memory_space<vmem>> -> memref<1x128xi32, #tpu.memory_space<vmem>>
    %dma_wait3A_266 = tpu.memref_squeeze %dma_wait3A_265 : memref<1x128xi32, #tpu.memory_space<vmem>> -> memref<128xi32, #tpu.memory_space<vmem>>
    %dma_wait3A_267 = arith.constant 0 : i32
    %dma_wait3A_268 = tpu.memref_slice %arg5[%dma_wait3A_267] : memref<4194304xf32, #tpu.memory_space<hbm>> -> memref<4194304xf32, #tpu.memory_space<hbm>>
    tpu.wait_indirect_dma semaphore(%arg19 : memref<!tpu.dma_semaphore, #tpu.memory_space<semaphore_mem>>) src(%arg8 : memref<128xf32, #tpu.memory_space<vmem>>) dst(%dma_wait3A_268 : memref<4194304xf32, #tpu.memory_space<hbm>>)
    %dma_wait3A_269 = arith.constant 12 : i32
    %dma_wait3A_270 = arith.constant 0 : i32
    %dma_wait3A_271 = tpu.memref_slice %arg11[%dma_wait3A_269, %dma_wait3A_270] : memref<20x128xi32, #tpu.memory_space<vmem>> -> memref<1x128xi32, #tpu.memory_space<vmem>>
    %dma_wait3A_272 = tpu.memref_squeeze %dma_wait3A_271 : memref<1x128xi32, #tpu.memory_space<vmem>> -> memref<128xi32, #tpu.memory_space<vmem>>
    %dma_wait3A_273 = arith.constant 0 : i32
    %dma_wait3A_274 = tpu.memref_slice %arg5[%dma_wait3A_273] : memref<4194304xf32, #tpu.memory_space<hbm>> -> memref<4194304xf32, #tpu.memory_space<hbm>>
    tpu.wait_indirect_dma semaphore(%arg19 : memref<!tpu.dma_semaphore, #tpu.memory_space<semaphore_mem>>) src(%arg8 : memref<128xf32, #tpu.memory_space<vmem>>) dst(%dma_wait3A_274 : memref<4194304xf32, #tpu.memory_space<hbm>>)
    %dma_wait3A_275 = arith.constant 13 : i32
    %dma_wait3A_276 = arith.constant 0 : i32
    %dma_wait3A_277 = tpu.memref_slice %arg11[%dma_wait3A_275, %dma_wait3A_276] : memref<20x128xi32, #tpu.memory_space<vmem>> -> memref<1x128xi32, #tpu.memory_space<vmem>>
    %dma_wait3A_278 = tpu.memref_squeeze %dma_wait3A_277 : memref<1x128xi32, #tpu.memory_space<vmem>> -> memref<128xi32, #tpu.memory_space<vmem>>
    %dma_wait3A_279 = arith.constant 0 : i32
    %dma_wait3A_280 = tpu.memref_slice %arg5[%dma_wait3A_279] : memref<4194304xf32, #tpu.memory_space<hbm>> -> memref<4194304xf32, #tpu.memory_space<hbm>>
    tpu.wait_indirect_dma semaphore(%arg19 : memref<!tpu.dma_semaphore, #tpu.memory_space<semaphore_mem>>) src(%arg8 : memref<128xf32, #tpu.memory_space<vmem>>) dst(%dma_wait3A_280 : memref<4194304xf32, #tpu.memory_space<hbm>>)
    %dma_wait3A_281 = arith.constant 14 : i32
    %dma_wait3A_282 = arith.constant 0 : i32
    %dma_wait3A_283 = tpu.memref_slice %arg11[%dma_wait3A_281, %dma_wait3A_282] : memref<20x128xi32, #tpu.memory_space<vmem>> -> memref<1x128xi32, #tpu.memory_space<vmem>>
    %dma_wait3A_284 = tpu.memref_squeeze %dma_wait3A_283 : memref<1x128xi32, #tpu.memory_space<vmem>> -> memref<128xi32, #tpu.memory_space<vmem>>
    %dma_wait3A_285 = arith.constant 0 : i32
    %dma_wait3A_286 = tpu.memref_slice %arg5[%dma_wait3A_285] : memref<4194304xf32, #tpu.memory_space<hbm>> -> memref<4194304xf32, #tpu.memory_space<hbm>>
    tpu.wait_indirect_dma semaphore(%arg19 : memref<!tpu.dma_semaphore, #tpu.memory_space<semaphore_mem>>) src(%arg8 : memref<128xf32, #tpu.memory_space<vmem>>) dst(%dma_wait3A_286 : memref<4194304xf32, #tpu.memory_space<hbm>>)
    %dma_wait3A_287 = arith.constant 15 : i32
    %dma_wait3A_288 = arith.constant 0 : i32
    %dma_wait3A_289 = tpu.memref_slice %arg11[%dma_wait3A_287, %dma_wait3A_288] : memref<20x128xi32, #tpu.memory_space<vmem>> -> memref<1x128xi32, #tpu.memory_space<vmem>>
    %dma_wait3A_290 = tpu.memref_squeeze %dma_wait3A_289 : memref<1x128xi32, #tpu.memory_space<vmem>> -> memref<128xi32, #tpu.memory_space<vmem>>
    %dma_wait3A_291 = arith.constant 0 : i32
    %dma_wait3A_292 = tpu.memref_slice %arg5[%dma_wait3A_291] : memref<4194304xf32, #tpu.memory_space<hbm>> -> memref<4194304xf32, #tpu.memory_space<hbm>>
    tpu.wait_indirect_dma semaphore(%arg19 : memref<!tpu.dma_semaphore, #tpu.memory_space<semaphore_mem>>) src(%arg8 : memref<128xf32, #tpu.memory_space<vmem>>) dst(%dma_wait3A_292 : memref<4194304xf32, #tpu.memory_space<hbm>>)
    %dma_wait3A_293 = arith.constant 16 : i32
    %dma_wait3A_294 = arith.constant 0 : i32
    %dma_wait3A_295 = tpu.memref_slice %arg11[%dma_wait3A_293, %dma_wait3A_294] : memref<20x128xi32, #tpu.memory_space<vmem>> -> memref<1x128xi32, #tpu.memory_space<vmem>>
    %dma_wait3A_296 = tpu.memref_squeeze %dma_wait3A_295 : memref<1x128xi32, #tpu.memory_space<vmem>> -> memref<128xi32, #tpu.memory_space<vmem>>
    %dma_wait3A_297 = arith.constant 0 : i32
    %dma_wait3A_298 = tpu.memref_slice %arg5[%dma_wait3A_297] : memref<4194304xf32, #tpu.memory_space<hbm>> -> memref<4194304xf32, #tpu.memory_space<hbm>>
    tpu.wait_indirect_dma semaphore(%arg19 : memref<!tpu.dma_semaphore, #tpu.memory_space<semaphore_mem>>) src(%arg8 : memref<128xf32, #tpu.memory_space<vmem>>) dst(%dma_wait3A_298 : memref<4194304xf32, #tpu.memory_space<hbm>>)
    %dma_wait3A_299 = arith.constant 17 : i32
    %dma_wait3A_300 = arith.constant 0 : i32
    %dma_wait3A_301 = tpu.memref_slice %arg11[%dma_wait3A_299, %dma_wait3A_300] : memref<20x128xi32, #tpu.memory_space<vmem>> -> memref<1x128xi32, #tpu.memory_space<vmem>>
    %dma_wait3A_302 = tpu.memref_squeeze %dma_wait3A_301 : memref<1x128xi32, #tpu.memory_space<vmem>> -> memref<128xi32, #tpu.memory_space<vmem>>
    %dma_wait3A_303 = arith.constant 0 : i32
    %dma_wait3A_304 = tpu.memref_slice %arg5[%dma_wait3A_303] : memref<4194304xf32, #tpu.memory_space<hbm>> -> memref<4194304xf32, #tpu.memory_space<hbm>>
    tpu.wait_indirect_dma semaphore(%arg19 : memref<!tpu.dma_semaphore, #tpu.memory_space<semaphore_mem>>) src(%arg8 : memref<128xf32, #tpu.memory_space<vmem>>) dst(%dma_wait3A_304 : memref<4194304xf32, #tpu.memory_space<hbm>>)
    %dma_wait3A_305 = arith.constant 18 : i32
    %dma_wait3A_306 = arith.constant 0 : i32
    %dma_wait3A_307 = tpu.memref_slice %arg11[%dma_wait3A_305, %dma_wait3A_306] : memref<20x128xi32, #tpu.memory_space<vmem>> -> memref<1x128xi32, #tpu.memory_space<vmem>>
    %dma_wait3A_308 = tpu.memref_squeeze %dma_wait3A_307 : memref<1x128xi32, #tpu.memory_space<vmem>> -> memref<128xi32, #tpu.memory_space<vmem>>
    %dma_wait3A_309 = arith.constant 0 : i32
    %dma_wait3A_310 = tpu.memref_slice %arg5[%dma_wait3A_309] : memref<4194304xf32, #tpu.memory_space<hbm>> -> memref<4194304xf32, #tpu.memory_space<hbm>>
    tpu.wait_indirect_dma semaphore(%arg19 : memref<!tpu.dma_semaphore, #tpu.memory_space<semaphore_mem>>) src(%arg8 : memref<128xf32, #tpu.memory_space<vmem>>) dst(%dma_wait3A_310 : memref<4194304xf32, #tpu.memory_space<hbm>>)
    %dma_wait3A_311 = arith.constant 19 : i32
    %dma_wait3A_312 = arith.constant 0 : i32
    %dma_wait3A_313 = tpu.memref_slice %arg11[%dma_wait3A_311, %dma_wait3A_312] : memref<20x128xi32, #tpu.memory_space<vmem>> -> memref<1x128xi32, #tpu.memory_space<vmem>>
    %dma_wait3A_314 = tpu.memref_squeeze %dma_wait3A_313 : memref<1x128xi32, #tpu.memory_space<vmem>> -> memref<128xi32, #tpu.memory_space<vmem>>
    %dma_wait3A_315 = arith.constant 0 : i32
    %dma_wait3A_316 = tpu.memref_slice %arg5[%dma_wait3A_315] : memref<4194304xf32, #tpu.memory_space<hbm>> -> memref<4194304xf32, #tpu.memory_space<hbm>>
    tpu.wait_indirect_dma semaphore(%arg19 : memref<!tpu.dma_semaphore, #tpu.memory_space<semaphore_mem>>) src(%arg8 : memref<128xf32, #tpu.memory_space<vmem>>) dst(%dma_wait3A_316 : memref<4194304xf32, #tpu.memory_space<hbm>>)
    %dma_start3A_317 = arith.constant 0 : i32
    %dma_start3A_318 = arith.constant 0 : i32
    %dma_start3A_319 = tpu.memref_slice %arg15[%dma_start3A_317, %dma_start3A_318] : memref<6x128xi32, #tpu.memory_space<vmem>> -> memref<1x128xi32, #tpu.memory_space<vmem>>
    %dma_start3A_320 = tpu.memref_squeeze %dma_start3A_319 : memref<1x128xi32, #tpu.memory_space<vmem>> -> memref<128xi32, #tpu.memory_space<vmem>>
    %dma_start3A_321 = arith.constant 0 : i32
    %dma_start3A_322 = arith.constant 0 : i32
    %dma_start3A_323 = tpu.memref_slice %arg4[%dma_start3A_321, %dma_start3A_322] : memref<64x128xf32, #tpu.memory_space<hbm>> -> memref<64x128xf32, #tpu.memory_space<hbm>>
    tpu.enqueue_indirect_dma source(%dma_start3A_323 : memref<64x128xf32, #tpu.memory_space<hbm>>) target(%arg16 : memref<128x128xf32, #tpu.memory_space<vmem>>) offsets(%dma_start3A_320 : memref<128xi32, #tpu.memory_space<vmem>>) semaphore(%arg19 : memref<!tpu.dma_semaphore, #tpu.memory_space<semaphore_mem>>)
    %dma_wait3A_324 = arith.constant 0 : i32
    %dma_wait3A_325 = arith.constant 0 : i32
    %dma_wait3A_326 = tpu.memref_slice %arg15[%dma_wait3A_324, %dma_wait3A_325] : memref<6x128xi32, #tpu.memory_space<vmem>> -> memref<1x128xi32, #tpu.memory_space<vmem>>
    %dma_wait3A_327 = tpu.memref_squeeze %dma_wait3A_326 : memref<1x128xi32, #tpu.memory_space<vmem>> -> memref<128xi32, #tpu.memory_space<vmem>>
    %dma_wait3A_328 = arith.constant 0 : i32
    %dma_wait3A_329 = arith.constant 0 : i32
    %dma_wait3A_330 = tpu.memref_slice %arg4[%dma_wait3A_328, %dma_wait3A_329] : memref<64x128xf32, #tpu.memory_space<hbm>> -> memref<64x128xf32, #tpu.memory_space<hbm>>
    tpu.wait_indirect_dma semaphore(%arg19 : memref<!tpu.dma_semaphore, #tpu.memory_space<semaphore_mem>>) src(%dma_wait3A_330 : memref<64x128xf32, #tpu.memory_space<hbm>>) dst(%arg16 : memref<128x128xf32, #tpu.memory_space<vmem>>)
    %run_scoped3A_331 = arith.constant 0 : i32
    "tpu.region"() ({
      %run_scoped3A_412 = tpu.sem_alloc : memref<!tpu.dma_semaphore, #tpu.memory_space<semaphore_mem>>
      %dma_start3A_413 = arith.constant 0 : i32
      %dma_start3A_414 = tpu.memref_slice %arg14[%run_scoped3A_331, %dma_start3A_413] : memref<6x128xi32, #tpu.memory_space<vmem>> -> memref<1x128xi32, #tpu.memory_space<vmem>>
      %dma_start3A_415 = tpu.memref_squeeze %dma_start3A_414 : memref<1x128xi32, #tpu.memory_space<vmem>> -> memref<128xi32, #tpu.memory_space<vmem>>
      %dma_start3A_416 = arith.constant 0 : i32
      %dma_start3A_417 = arith.constant 0 : i32
      %dma_start3A_418 = tpu.memref_slice %arg18[%dma_start3A_416, %dma_start3A_417] : memref<2048x128xf32, #tpu.memory_space<vmem_shared>> -> memref<2048x128xf32, #tpu.memory_space<vmem_shared>>
      tpu.enqueue_indirect_dma source(%arg16 : memref<128x128xf32, #tpu.memory_space<vmem>>) target(%dma_start3A_418 : memref<2048x128xf32, #tpu.memory_space<vmem_shared>>) offsets(%dma_start3A_415 : memref<128xi32, #tpu.memory_space<vmem>>) semaphore(%run_scoped3A_412 : memref<!tpu.dma_semaphore, #tpu.memory_space<semaphore_mem>>) {add = true}
      %dma_wait3A_419 = arith.constant 0 : i32
      %dma_wait3A_420 = tpu.memref_slice %arg14[%run_scoped3A_331, %dma_wait3A_419] : memref<6x128xi32, #tpu.memory_space<vmem>> -> memref<1x128xi32, #tpu.memory_space<vmem>>
      %dma_wait3A_421 = tpu.memref_squeeze %dma_wait3A_420 : memref<1x128xi32, #tpu.memory_space<vmem>> -> memref<128xi32, #tpu.memory_space<vmem>>
      %dma_wait3A_422 = arith.constant 0 : i32
      %dma_wait3A_423 = arith.constant 0 : i32
      %dma_wait3A_424 = tpu.memref_slice %arg18[%dma_wait3A_422, %dma_wait3A_423] : memref<2048x128xf32, #tpu.memory_space<vmem_shared>> -> memref<2048x128xf32, #tpu.memory_space<vmem_shared>>
      tpu.wait_indirect_dma semaphore(%run_scoped3A_412 : memref<!tpu.dma_semaphore, #tpu.memory_space<semaphore_mem>>) src(%arg16 : memref<128x128xf32, #tpu.memory_space<vmem>>) dst(%dma_wait3A_424 : memref<2048x128xf32, #tpu.memory_space<vmem_shared>>)
      tpu.yield
    }) : () -> ()
    %dma_start3A_332 = arith.constant 1 : i32
    %dma_start3A_333 = arith.constant 0 : i32
    %dma_start3A_334 = tpu.memref_slice %arg15[%dma_start3A_332, %dma_start3A_333] : memref<6x128xi32, #tpu.memory_space<vmem>> -> memref<1x128xi32, #tpu.memory_space<vmem>>
    %dma_start3A_335 = tpu.memref_squeeze %dma_start3A_334 : memref<1x128xi32, #tpu.memory_space<vmem>> -> memref<128xi32, #tpu.memory_space<vmem>>
    %dma_start3A_336 = arith.constant 0 : i32
    %dma_start3A_337 = arith.constant 0 : i32
    %dma_start3A_338 = tpu.memref_slice %arg4[%dma_start3A_336, %dma_start3A_337] : memref<64x128xf32, #tpu.memory_space<hbm>> -> memref<64x128xf32, #tpu.memory_space<hbm>>
    tpu.enqueue_indirect_dma source(%dma_start3A_338 : memref<64x128xf32, #tpu.memory_space<hbm>>) target(%arg16 : memref<128x128xf32, #tpu.memory_space<vmem>>) offsets(%dma_start3A_335 : memref<128xi32, #tpu.memory_space<vmem>>) semaphore(%arg19 : memref<!tpu.dma_semaphore, #tpu.memory_space<semaphore_mem>>)
    %dma_wait3A_339 = arith.constant 1 : i32
    %dma_wait3A_340 = arith.constant 0 : i32
    %dma_wait3A_341 = tpu.memref_slice %arg15[%dma_wait3A_339, %dma_wait3A_340] : memref<6x128xi32, #tpu.memory_space<vmem>> -> memref<1x128xi32, #tpu.memory_space<vmem>>
    %dma_wait3A_342 = tpu.memref_squeeze %dma_wait3A_341 : memref<1x128xi32, #tpu.memory_space<vmem>> -> memref<128xi32, #tpu.memory_space<vmem>>
    %dma_wait3A_343 = arith.constant 0 : i32
    %dma_wait3A_344 = arith.constant 0 : i32
    %dma_wait3A_345 = tpu.memref_slice %arg4[%dma_wait3A_343, %dma_wait3A_344] : memref<64x128xf32, #tpu.memory_space<hbm>> -> memref<64x128xf32, #tpu.memory_space<hbm>>
    tpu.wait_indirect_dma semaphore(%arg19 : memref<!tpu.dma_semaphore, #tpu.memory_space<semaphore_mem>>) src(%dma_wait3A_345 : memref<64x128xf32, #tpu.memory_space<hbm>>) dst(%arg16 : memref<128x128xf32, #tpu.memory_space<vmem>>)
    %run_scoped3A_346 = arith.constant 1 : i32
    "tpu.region"() ({
      %run_scoped3A_412 = tpu.sem_alloc : memref<!tpu.dma_semaphore, #tpu.memory_space<semaphore_mem>>
      %dma_start3A_413 = arith.constant 0 : i32
      %dma_start3A_414 = tpu.memref_slice %arg14[%run_scoped3A_346, %dma_start3A_413] : memref<6x128xi32, #tpu.memory_space<vmem>> -> memref<1x128xi32, #tpu.memory_space<vmem>>
      %dma_start3A_415 = tpu.memref_squeeze %dma_start3A_414 : memref<1x128xi32, #tpu.memory_space<vmem>> -> memref<128xi32, #tpu.memory_space<vmem>>
      %dma_start3A_416 = arith.constant 0 : i32
      %dma_start3A_417 = arith.constant 0 : i32
      %dma_start3A_418 = tpu.memref_slice %arg18[%dma_start3A_416, %dma_start3A_417] : memref<2048x128xf32, #tpu.memory_space<vmem_shared>> -> memref<2048x128xf32, #tpu.memory_space<vmem_shared>>
      tpu.enqueue_indirect_dma source(%arg16 : memref<128x128xf32, #tpu.memory_space<vmem>>) target(%dma_start3A_418 : memref<2048x128xf32, #tpu.memory_space<vmem_shared>>) offsets(%dma_start3A_415 : memref<128xi32, #tpu.memory_space<vmem>>) semaphore(%run_scoped3A_412 : memref<!tpu.dma_semaphore, #tpu.memory_space<semaphore_mem>>) {add = true}
      %dma_wait3A_419 = arith.constant 0 : i32
      %dma_wait3A_420 = tpu.memref_slice %arg14[%run_scoped3A_346, %dma_wait3A_419] : memref<6x128xi32, #tpu.memory_space<vmem>> -> memref<1x128xi32, #tpu.memory_space<vmem>>
      %dma_wait3A_421 = tpu.memref_squeeze %dma_wait3A_420 : memref<1x128xi32, #tpu.memory_space<vmem>> -> memref<128xi32, #tpu.memory_space<vmem>>
      %dma_wait3A_422 = arith.constant 0 : i32
      %dma_wait3A_423 = arith.constant 0 : i32
      %dma_wait3A_424 = tpu.memref_slice %arg18[%dma_wait3A_422, %dma_wait3A_423] : memref<2048x128xf32, #tpu.memory_space<vmem_shared>> -> memref<2048x128xf32, #tpu.memory_space<vmem_shared>>
      tpu.wait_indirect_dma semaphore(%run_scoped3A_412 : memref<!tpu.dma_semaphore, #tpu.memory_space<semaphore_mem>>) src(%arg16 : memref<128x128xf32, #tpu.memory_space<vmem>>) dst(%dma_wait3A_424 : memref<2048x128xf32, #tpu.memory_space<vmem_shared>>)
      tpu.yield
    }) : () -> ()
    %dma_start3A_347 = arith.constant 2 : i32
    %dma_start3A_348 = arith.constant 0 : i32
    %dma_start3A_349 = tpu.memref_slice %arg15[%dma_start3A_347, %dma_start3A_348] : memref<6x128xi32, #tpu.memory_space<vmem>> -> memref<1x128xi32, #tpu.memory_space<vmem>>
    %dma_start3A_350 = tpu.memref_squeeze %dma_start3A_349 : memref<1x128xi32, #tpu.memory_space<vmem>> -> memref<128xi32, #tpu.memory_space<vmem>>
    %dma_start3A_351 = arith.constant 0 : i32
    %dma_start3A_352 = arith.constant 0 : i32
    %dma_start3A_353 = tpu.memref_slice %arg4[%dma_start3A_351, %dma_start3A_352] : memref<64x128xf32, #tpu.memory_space<hbm>> -> memref<64x128xf32, #tpu.memory_space<hbm>>
    tpu.enqueue_indirect_dma source(%dma_start3A_353 : memref<64x128xf32, #tpu.memory_space<hbm>>) target(%arg16 : memref<128x128xf32, #tpu.memory_space<vmem>>) offsets(%dma_start3A_350 : memref<128xi32, #tpu.memory_space<vmem>>) semaphore(%arg19 : memref<!tpu.dma_semaphore, #tpu.memory_space<semaphore_mem>>)
    %dma_wait3A_354 = arith.constant 2 : i32
    %dma_wait3A_355 = arith.constant 0 : i32
    %dma_wait3A_356 = tpu.memref_slice %arg15[%dma_wait3A_354, %dma_wait3A_355] : memref<6x128xi32, #tpu.memory_space<vmem>> -> memref<1x128xi32, #tpu.memory_space<vmem>>
    %dma_wait3A_357 = tpu.memref_squeeze %dma_wait3A_356 : memref<1x128xi32, #tpu.memory_space<vmem>> -> memref<128xi32, #tpu.memory_space<vmem>>
    %dma_wait3A_358 = arith.constant 0 : i32
    %dma_wait3A_359 = arith.constant 0 : i32
    %dma_wait3A_360 = tpu.memref_slice %arg4[%dma_wait3A_358, %dma_wait3A_359] : memref<64x128xf32, #tpu.memory_space<hbm>> -> memref<64x128xf32, #tpu.memory_space<hbm>>
    tpu.wait_indirect_dma semaphore(%arg19 : memref<!tpu.dma_semaphore, #tpu.memory_space<semaphore_mem>>) src(%dma_wait3A_360 : memref<64x128xf32, #tpu.memory_space<hbm>>) dst(%arg16 : memref<128x128xf32, #tpu.memory_space<vmem>>)
    %run_scoped3A_361 = arith.constant 2 : i32
    "tpu.region"() ({
      %run_scoped3A_412 = tpu.sem_alloc : memref<!tpu.dma_semaphore, #tpu.memory_space<semaphore_mem>>
      %dma_start3A_413 = arith.constant 0 : i32
      %dma_start3A_414 = tpu.memref_slice %arg14[%run_scoped3A_361, %dma_start3A_413] : memref<6x128xi32, #tpu.memory_space<vmem>> -> memref<1x128xi32, #tpu.memory_space<vmem>>
      %dma_start3A_415 = tpu.memref_squeeze %dma_start3A_414 : memref<1x128xi32, #tpu.memory_space<vmem>> -> memref<128xi32, #tpu.memory_space<vmem>>
      %dma_start3A_416 = arith.constant 0 : i32
      %dma_start3A_417 = arith.constant 0 : i32
      %dma_start3A_418 = tpu.memref_slice %arg18[%dma_start3A_416, %dma_start3A_417] : memref<2048x128xf32, #tpu.memory_space<vmem_shared>> -> memref<2048x128xf32, #tpu.memory_space<vmem_shared>>
      tpu.enqueue_indirect_dma source(%arg16 : memref<128x128xf32, #tpu.memory_space<vmem>>) target(%dma_start3A_418 : memref<2048x128xf32, #tpu.memory_space<vmem_shared>>) offsets(%dma_start3A_415 : memref<128xi32, #tpu.memory_space<vmem>>) semaphore(%run_scoped3A_412 : memref<!tpu.dma_semaphore, #tpu.memory_space<semaphore_mem>>) {add = true}
      %dma_wait3A_419 = arith.constant 0 : i32
      %dma_wait3A_420 = tpu.memref_slice %arg14[%run_scoped3A_361, %dma_wait3A_419] : memref<6x128xi32, #tpu.memory_space<vmem>> -> memref<1x128xi32, #tpu.memory_space<vmem>>
      %dma_wait3A_421 = tpu.memref_squeeze %dma_wait3A_420 : memref<1x128xi32, #tpu.memory_space<vmem>> -> memref<128xi32, #tpu.memory_space<vmem>>
      %dma_wait3A_422 = arith.constant 0 : i32
      %dma_wait3A_423 = arith.constant 0 : i32
      %dma_wait3A_424 = tpu.memref_slice %arg18[%dma_wait3A_422, %dma_wait3A_423] : memref<2048x128xf32, #tpu.memory_space<vmem_shared>> -> memref<2048x128xf32, #tpu.memory_space<vmem_shared>>
      tpu.wait_indirect_dma semaphore(%run_scoped3A_412 : memref<!tpu.dma_semaphore, #tpu.memory_space<semaphore_mem>>) src(%arg16 : memref<128x128xf32, #tpu.memory_space<vmem>>) dst(%dma_wait3A_424 : memref<2048x128xf32, #tpu.memory_space<vmem_shared>>)
      tpu.yield
    }) : () -> ()
    %dma_start3A_362 = arith.constant 3 : i32
    %dma_start3A_363 = arith.constant 0 : i32
    %dma_start3A_364 = tpu.memref_slice %arg15[%dma_start3A_362, %dma_start3A_363] : memref<6x128xi32, #tpu.memory_space<vmem>> -> memref<1x128xi32, #tpu.memory_space<vmem>>
    %dma_start3A_365 = tpu.memref_squeeze %dma_start3A_364 : memref<1x128xi32, #tpu.memory_space<vmem>> -> memref<128xi32, #tpu.memory_space<vmem>>
    %dma_start3A_366 = arith.constant 0 : i32
    %dma_start3A_367 = arith.constant 0 : i32
    %dma_start3A_368 = tpu.memref_slice %arg4[%dma_start3A_366, %dma_start3A_367] : memref<64x128xf32, #tpu.memory_space<hbm>> -> memref<64x128xf32, #tpu.memory_space<hbm>>
    tpu.enqueue_indirect_dma source(%dma_start3A_368 : memref<64x128xf32, #tpu.memory_space<hbm>>) target(%arg16 : memref<128x128xf32, #tpu.memory_space<vmem>>) offsets(%dma_start3A_365 : memref<128xi32, #tpu.memory_space<vmem>>) semaphore(%arg19 : memref<!tpu.dma_semaphore, #tpu.memory_space<semaphore_mem>>)
    %dma_wait3A_369 = arith.constant 3 : i32
    %dma_wait3A_370 = arith.constant 0 : i32
    %dma_wait3A_371 = tpu.memref_slice %arg15[%dma_wait3A_369, %dma_wait3A_370] : memref<6x128xi32, #tpu.memory_space<vmem>> -> memref<1x128xi32, #tpu.memory_space<vmem>>
    %dma_wait3A_372 = tpu.memref_squeeze %dma_wait3A_371 : memref<1x128xi32, #tpu.memory_space<vmem>> -> memref<128xi32, #tpu.memory_space<vmem>>
    %dma_wait3A_373 = arith.constant 0 : i32
    %dma_wait3A_374 = arith.constant 0 : i32
    %dma_wait3A_375 = tpu.memref_slice %arg4[%dma_wait3A_373, %dma_wait3A_374] : memref<64x128xf32, #tpu.memory_space<hbm>> -> memref<64x128xf32, #tpu.memory_space<hbm>>
    tpu.wait_indirect_dma semaphore(%arg19 : memref<!tpu.dma_semaphore, #tpu.memory_space<semaphore_mem>>) src(%dma_wait3A_375 : memref<64x128xf32, #tpu.memory_space<hbm>>) dst(%arg16 : memref<128x128xf32, #tpu.memory_space<vmem>>)
    %run_scoped3A_376 = arith.constant 3 : i32
    "tpu.region"() ({
      %run_scoped3A_412 = tpu.sem_alloc : memref<!tpu.dma_semaphore, #tpu.memory_space<semaphore_mem>>
      %dma_start3A_413 = arith.constant 0 : i32
      %dma_start3A_414 = tpu.memref_slice %arg14[%run_scoped3A_376, %dma_start3A_413] : memref<6x128xi32, #tpu.memory_space<vmem>> -> memref<1x128xi32, #tpu.memory_space<vmem>>
      %dma_start3A_415 = tpu.memref_squeeze %dma_start3A_414 : memref<1x128xi32, #tpu.memory_space<vmem>> -> memref<128xi32, #tpu.memory_space<vmem>>
      %dma_start3A_416 = arith.constant 0 : i32
      %dma_start3A_417 = arith.constant 0 : i32
      %dma_start3A_418 = tpu.memref_slice %arg18[%dma_start3A_416, %dma_start3A_417] : memref<2048x128xf32, #tpu.memory_space<vmem_shared>> -> memref<2048x128xf32, #tpu.memory_space<vmem_shared>>
      tpu.enqueue_indirect_dma source(%arg16 : memref<128x128xf32, #tpu.memory_space<vmem>>) target(%dma_start3A_418 : memref<2048x128xf32, #tpu.memory_space<vmem_shared>>) offsets(%dma_start3A_415 : memref<128xi32, #tpu.memory_space<vmem>>) semaphore(%run_scoped3A_412 : memref<!tpu.dma_semaphore, #tpu.memory_space<semaphore_mem>>) {add = true}
      %dma_wait3A_419 = arith.constant 0 : i32
      %dma_wait3A_420 = tpu.memref_slice %arg14[%run_scoped3A_376, %dma_wait3A_419] : memref<6x128xi32, #tpu.memory_space<vmem>> -> memref<1x128xi32, #tpu.memory_space<vmem>>
      %dma_wait3A_421 = tpu.memref_squeeze %dma_wait3A_420 : memref<1x128xi32, #tpu.memory_space<vmem>> -> memref<128xi32, #tpu.memory_space<vmem>>
      %dma_wait3A_422 = arith.constant 0 : i32
      %dma_wait3A_423 = arith.constant 0 : i32
      %dma_wait3A_424 = tpu.memref_slice %arg18[%dma_wait3A_422, %dma_wait3A_423] : memref<2048x128xf32, #tpu.memory_space<vmem_shared>> -> memref<2048x128xf32, #tpu.memory_space<vmem_shared>>
      tpu.wait_indirect_dma semaphore(%run_scoped3A_412 : memref<!tpu.dma_semaphore, #tpu.memory_space<semaphore_mem>>) src(%arg16 : memref<128x128xf32, #tpu.memory_space<vmem>>) dst(%dma_wait3A_424 : memref<2048x128xf32, #tpu.memory_space<vmem_shared>>)
      tpu.yield
    }) : () -> ()
    %dma_start3A_377 = arith.constant 4 : i32
    %dma_start3A_378 = arith.constant 0 : i32
    %dma_start3A_379 = tpu.memref_slice %arg15[%dma_start3A_377, %dma_start3A_378] : memref<6x128xi32, #tpu.memory_space<vmem>> -> memref<1x128xi32, #tpu.memory_space<vmem>>
    %dma_start3A_380 = tpu.memref_squeeze %dma_start3A_379 : memref<1x128xi32, #tpu.memory_space<vmem>> -> memref<128xi32, #tpu.memory_space<vmem>>
    %dma_start3A_381 = arith.constant 0 : i32
    %dma_start3A_382 = arith.constant 0 : i32
    %dma_start3A_383 = tpu.memref_slice %arg4[%dma_start3A_381, %dma_start3A_382] : memref<64x128xf32, #tpu.memory_space<hbm>> -> memref<64x128xf32, #tpu.memory_space<hbm>>
    tpu.enqueue_indirect_dma source(%dma_start3A_383 : memref<64x128xf32, #tpu.memory_space<hbm>>) target(%arg16 : memref<128x128xf32, #tpu.memory_space<vmem>>) offsets(%dma_start3A_380 : memref<128xi32, #tpu.memory_space<vmem>>) semaphore(%arg19 : memref<!tpu.dma_semaphore, #tpu.memory_space<semaphore_mem>>)
    %dma_wait3A_384 = arith.constant 4 : i32
    %dma_wait3A_385 = arith.constant 0 : i32
    %dma_wait3A_386 = tpu.memref_slice %arg15[%dma_wait3A_384, %dma_wait3A_385] : memref<6x128xi32, #tpu.memory_space<vmem>> -> memref<1x128xi32, #tpu.memory_space<vmem>>
    %dma_wait3A_387 = tpu.memref_squeeze %dma_wait3A_386 : memref<1x128xi32, #tpu.memory_space<vmem>> -> memref<128xi32, #tpu.memory_space<vmem>>
    %dma_wait3A_388 = arith.constant 0 : i32
    %dma_wait3A_389 = arith.constant 0 : i32
    %dma_wait3A_390 = tpu.memref_slice %arg4[%dma_wait3A_388, %dma_wait3A_389] : memref<64x128xf32, #tpu.memory_space<hbm>> -> memref<64x128xf32, #tpu.memory_space<hbm>>
    tpu.wait_indirect_dma semaphore(%arg19 : memref<!tpu.dma_semaphore, #tpu.memory_space<semaphore_mem>>) src(%dma_wait3A_390 : memref<64x128xf32, #tpu.memory_space<hbm>>) dst(%arg16 : memref<128x128xf32, #tpu.memory_space<vmem>>)
    %run_scoped3A_391 = arith.constant 4 : i32
    "tpu.region"() ({
      %run_scoped3A_412 = tpu.sem_alloc : memref<!tpu.dma_semaphore, #tpu.memory_space<semaphore_mem>>
      %dma_start3A_413 = arith.constant 0 : i32
      %dma_start3A_414 = tpu.memref_slice %arg14[%run_scoped3A_391, %dma_start3A_413] : memref<6x128xi32, #tpu.memory_space<vmem>> -> memref<1x128xi32, #tpu.memory_space<vmem>>
      %dma_start3A_415 = tpu.memref_squeeze %dma_start3A_414 : memref<1x128xi32, #tpu.memory_space<vmem>> -> memref<128xi32, #tpu.memory_space<vmem>>
      %dma_start3A_416 = arith.constant 0 : i32
      %dma_start3A_417 = arith.constant 0 : i32
      %dma_start3A_418 = tpu.memref_slice %arg18[%dma_start3A_416, %dma_start3A_417] : memref<2048x128xf32, #tpu.memory_space<vmem_shared>> -> memref<2048x128xf32, #tpu.memory_space<vmem_shared>>
      tpu.enqueue_indirect_dma source(%arg16 : memref<128x128xf32, #tpu.memory_space<vmem>>) target(%dma_start3A_418 : memref<2048x128xf32, #tpu.memory_space<vmem_shared>>) offsets(%dma_start3A_415 : memref<128xi32, #tpu.memory_space<vmem>>) semaphore(%run_scoped3A_412 : memref<!tpu.dma_semaphore, #tpu.memory_space<semaphore_mem>>) {add = true}
      %dma_wait3A_419 = arith.constant 0 : i32
      %dma_wait3A_420 = tpu.memref_slice %arg14[%run_scoped3A_391, %dma_wait3A_419] : memref<6x128xi32, #tpu.memory_space<vmem>> -> memref<1x128xi32, #tpu.memory_space<vmem>>
      %dma_wait3A_421 = tpu.memref_squeeze %dma_wait3A_420 : memref<1x128xi32, #tpu.memory_space<vmem>> -> memref<128xi32, #tpu.memory_space<vmem>>
      %dma_wait3A_422 = arith.constant 0 : i32
      %dma_wait3A_423 = arith.constant 0 : i32
      %dma_wait3A_424 = tpu.memref_slice %arg18[%dma_wait3A_422, %dma_wait3A_423] : memref<2048x128xf32, #tpu.memory_space<vmem_shared>> -> memref<2048x128xf32, #tpu.memory_space<vmem_shared>>
      tpu.wait_indirect_dma semaphore(%run_scoped3A_412 : memref<!tpu.dma_semaphore, #tpu.memory_space<semaphore_mem>>) src(%arg16 : memref<128x128xf32, #tpu.memory_space<vmem>>) dst(%dma_wait3A_424 : memref<2048x128xf32, #tpu.memory_space<vmem_shared>>)
      tpu.yield
    }) : () -> ()
    %dma_start3A_392 = arith.constant 5 : i32
    %dma_start3A_393 = arith.constant 0 : i32
    %dma_start3A_394 = tpu.memref_slice %arg15[%dma_start3A_392, %dma_start3A_393] : memref<6x128xi32, #tpu.memory_space<vmem>> -> memref<1x128xi32, #tpu.memory_space<vmem>>
    %dma_start3A_395 = tpu.memref_squeeze %dma_start3A_394 : memref<1x128xi32, #tpu.memory_space<vmem>> -> memref<128xi32, #tpu.memory_space<vmem>>
    %dma_start3A_396 = arith.constant 0 : i32
    %dma_start3A_397 = arith.constant 0 : i32
    %dma_start3A_398 = tpu.memref_slice %arg4[%dma_start3A_396, %dma_start3A_397] : memref<64x128xf32, #tpu.memory_space<hbm>> -> memref<64x128xf32, #tpu.memory_space<hbm>>
    tpu.enqueue_indirect_dma source(%dma_start3A_398 : memref<64x128xf32, #tpu.memory_space<hbm>>) target(%arg16 : memref<128x128xf32, #tpu.memory_space<vmem>>) offsets(%dma_start3A_395 : memref<128xi32, #tpu.memory_space<vmem>>) semaphore(%arg19 : memref<!tpu.dma_semaphore, #tpu.memory_space<semaphore_mem>>)
    %dma_wait3A_399 = arith.constant 5 : i32
    %dma_wait3A_400 = arith.constant 0 : i32
    %dma_wait3A_401 = tpu.memref_slice %arg15[%dma_wait3A_399, %dma_wait3A_400] : memref<6x128xi32, #tpu.memory_space<vmem>> -> memref<1x128xi32, #tpu.memory_space<vmem>>
    %dma_wait3A_402 = tpu.memref_squeeze %dma_wait3A_401 : memref<1x128xi32, #tpu.memory_space<vmem>> -> memref<128xi32, #tpu.memory_space<vmem>>
    %dma_wait3A_403 = arith.constant 0 : i32
    %dma_wait3A_404 = arith.constant 0 : i32
    %dma_wait3A_405 = tpu.memref_slice %arg4[%dma_wait3A_403, %dma_wait3A_404] : memref<64x128xf32, #tpu.memory_space<hbm>> -> memref<64x128xf32, #tpu.memory_space<hbm>>
    tpu.wait_indirect_dma semaphore(%arg19 : memref<!tpu.dma_semaphore, #tpu.memory_space<semaphore_mem>>) src(%dma_wait3A_405 : memref<64x128xf32, #tpu.memory_space<hbm>>) dst(%arg16 : memref<128x128xf32, #tpu.memory_space<vmem>>)
    %run_scoped3A_406 = arith.constant 5 : i32
    "tpu.region"() ({
      %run_scoped3A_412 = tpu.sem_alloc : memref<!tpu.dma_semaphore, #tpu.memory_space<semaphore_mem>>
      %dma_start3A_413 = arith.constant 0 : i32
      %dma_start3A_414 = tpu.memref_slice %arg14[%run_scoped3A_406, %dma_start3A_413] : memref<6x128xi32, #tpu.memory_space<vmem>> -> memref<1x128xi32, #tpu.memory_space<vmem>>
      %dma_start3A_415 = tpu.memref_squeeze %dma_start3A_414 : memref<1x128xi32, #tpu.memory_space<vmem>> -> memref<128xi32, #tpu.memory_space<vmem>>
      %dma_start3A_416 = arith.constant 0 : i32
      %dma_start3A_417 = arith.constant 0 : i32
      %dma_start3A_418 = tpu.memref_slice %arg18[%dma_start3A_416, %dma_start3A_417] : memref<2048x128xf32, #tpu.memory_space<vmem_shared>> -> memref<2048x128xf32, #tpu.memory_space<vmem_shared>>
      tpu.enqueue_indirect_dma source(%arg16 : memref<128x128xf32, #tpu.memory_space<vmem>>) target(%dma_start3A_418 : memref<2048x128xf32, #tpu.memory_space<vmem_shared>>) offsets(%dma_start3A_415 : memref<128xi32, #tpu.memory_space<vmem>>) semaphore(%run_scoped3A_412 : memref<!tpu.dma_semaphore, #tpu.memory_space<semaphore_mem>>) {add = true}
      %dma_wait3A_419 = arith.constant 0 : i32
      %dma_wait3A_420 = tpu.memref_slice %arg14[%run_scoped3A_406, %dma_wait3A_419] : memref<6x128xi32, #tpu.memory_space<vmem>> -> memref<1x128xi32, #tpu.memory_space<vmem>>
      %dma_wait3A_421 = tpu.memref_squeeze %dma_wait3A_420 : memref<1x128xi32, #tpu.memory_space<vmem>> -> memref<128xi32, #tpu.memory_space<vmem>>
      %dma_wait3A_422 = arith.constant 0 : i32
      %dma_wait3A_423 = arith.constant 0 : i32
      %dma_wait3A_424 = tpu.memref_slice %arg18[%dma_wait3A_422, %dma_wait3A_423] : memref<2048x128xf32, #tpu.memory_space<vmem_shared>> -> memref<2048x128xf32, #tpu.memory_space<vmem_shared>>
      tpu.wait_indirect_dma semaphore(%run_scoped3A_412 : memref<!tpu.dma_semaphore, #tpu.memory_space<semaphore_mem>>) src(%arg16 : memref<128x128xf32, #tpu.memory_space<vmem>>) dst(%dma_wait3A_424 : memref<2048x128xf32, #tpu.memory_space<vmem_shared>>)
      tpu.yield
    }) : () -> ()
    %barrier3A_407 = arith.constant 0 : index
    tpu.barrier barrier_id(%barrier3A_407)
    %mul3A_408 = arith.constant 128 : i32
    %mul3A_409 = arith.muli %arg1, %mul3A_408 : i32
    %mul3A_410 = arith.constant 128 : i32
    %mul3A_411 = arith.muli %arg1, %mul3A_410 : i32
    "tpu.region"() ({
      %run_scoped3A_412 = tpu.sem_alloc : memref<!tpu.dma_semaphore, #tpu.memory_space<semaphore_mem>>
      %dma_start3A_413 = arith.constant 0 : i32
      %dma_start3A_414 = tpu.memref_slice %arg6[%mul3A_411, %dma_start3A_413] : memref<2048x128xf32, #tpu.memory_space<hbm>> -> memref<128x128xf32, #tpu.memory_space<hbm>>
      %dma_start3A_415 = arith.constant 0 : i32
      %dma_start3A_416 = tpu.memref_slice %arg18[%mul3A_409, %dma_start3A_415] : memref<2048x128xf32, #tpu.memory_space<vmem_shared>> -> memref<128x128xf32, #tpu.memory_space<vmem_shared>>
      tpu.enqueue_dma source(%dma_start3A_416 : memref<128x128xf32, #tpu.memory_space<vmem_shared>>) target(%dma_start3A_414 : memref<128x128xf32, #tpu.memory_space<hbm>>) target_semaphore(%run_scoped3A_412 : memref<!tpu.dma_semaphore, #tpu.memory_space<semaphore_mem>>)
      %dma_wait3A_417 = arith.constant 0 : i32
      %dma_wait3A_418 = tpu.memref_slice %arg6[%mul3A_411, %dma_wait3A_417] : memref<2048x128xf32, #tpu.memory_space<hbm>> -> memref<128x128xf32, #tpu.memory_space<hbm>>
      %dma_wait3A_419 = arith.constant 0 : i32
      %dma_wait3A_420 = tpu.memref_slice %arg18[%mul3A_409, %dma_wait3A_419] : memref<2048x128xf32, #tpu.memory_space<vmem_shared>> -> memref<128x128xf32, #tpu.memory_space<vmem_shared>>
      tpu.wait_dma2 semaphore(%run_scoped3A_412 : memref<!tpu.dma_semaphore, #tpu.memory_space<semaphore_mem>>) src(%dma_wait3A_420 : memref<128x128xf32, #tpu.memory_space<vmem_shared>>) dst(%dma_wait3A_418 : memref<128x128xf32, #tpu.memory_space<hbm>>)
      tpu.yield
    }) : () -> ()
    return
  }
}

</mosaic_0001>

<sc_bundles>
// kernel: _sc_build.3.cloned.1.call-start
scs
__scs_entry_jumppad:
0x0: {  	(pc) =	sbr.rel $0x88, $3  }
0x1: {  	(tag) =	ssettag $0x0;
	lr =	simm.s32 $0x1  }
0x2: {  	[smem:$0x3F9E] =	sst lr;
	_ =	strace $0xD0000000  }
0x3: {  	_ = 	snop  }
0x4: {  	_ = 	snop  }
0x5: {  	_ = 	snop  }
0x6: {  	_ = 	snop  }
0x7: {  	_ = 	snop  }
__scs_overlays_trampoline_lowered:
0x8: {  	[smem:$0x3FAD] =	sst s0  }
0x9: {  	[smem:$0x3FAE] =	sst s1  }
0xa: {  	[smem:$0x3FAF] =	sst s2  }
0xb: {  	[smem:$0x3FB0] =	sst s3  }
0xc: {  	[smem:$0x3FB1] =	sst s4  }
0xd: {  	[smem:$0x3FB2] =	sst s5  }
0xe: {  	[smem:$0x3FB3] =	sst s6  }
0xf: {  	[smem:$0x3FB4] =	sst s7  }
0x10: {  	[smem:$0x3FB5] =	sst s8  }
0x11: {  	[smem:$0x3FB6] =	sst s9;
	s0 =	simm.s32 @!p0 $0x0  }
0x12: {  	s1 =	sld [smem:$0x3F9C];
	s0 =	simm.s32 @p0 $0x1  }
0x13: {  	[smem:$0x3FB7] =	sst s0;
	s0 =	simm.s32 @!p1 $0x0  }
0x14: {  	s2 =	sld [smem:$0x3F9B];
	s0 =	simm.s32 @p1 $0x1  }
0x15: {  	[smem:$0x3FB8] =	sst s0;
	s0 =	simm.s32 @!p2 $0x0  }
0x16: {  	s3 =	sld [smem:$0x3FDB];
	s0 =	simm.s32 @p2 $0x1  }
0x17: {  	s4 =	simm.s32 $0x1BF5;
	[smem:$0x3FBA] =	sst s0  }
0x18: {  	s0 =	sld [smem:$0x3F9D];
	_ =	swait.ge [sflag:s4], $0x0  }
0x19: {  	s7 =	sld [smem:$0x3F9E]  }
0x1a: {  	s8 =	sadd.s32 $0xFFFFE003, lr  }
0x1b: {  	s9 =	sadd.s32 $0xFFFFFEF7, lr;
	s5 =	simm.s32 $0xFFFFFFFF;
	p2 =	slt.u32 s8, $0xFFFFF086  }
0x1c: {  	p1 =	slt.u32 s9, $0xF7A;
	s5 =	simm.s32 @!p2 $0x0  }
0x1d: {  	s5 =	simm.s32 @p1 $0x1;
	p0 =	seq.s32 s7, s2  }
0x1e: {  	s7 =	smul.u32 @!p0 $0xF7A, s2;
	p2 =	seq.s32 @!p0 s5, $0x0  }
0x1f: {  	s9 =	smul.u32 $0xF7A, s1;
	s8 =	simm.s32 @!p0 $0x1BF5;
	p2 =	por !p2, p0  }
0x20: {  	[sflag:s8] =	ssyncset.s32 @!p0 $0xFFFFF086;
	s6 =	sadd.s32 @!p0 s3, s7;
	s7 =	simm.s32 @!p0 $0x108  }
0x21: {  	s3 =	sadd.s32 s3, s9;
	s6 =	sadd.s32 @!p0 $0x88, s6;
	s7 =	simm.s32 @p2 $0x1082  }
0x22: {  	[simem:s7], [sflag:s8] =	dma.local @!p0 [hbm:s6], $0xF7A  }
0x23: {  	s9 =	sor.u32 $0xD0000000, s2;
	s6 =	simm.s32 $0x108;
	_ =	swait.ge @!p0 [sflag:s8], $0x0  }
0x24: {  	s3 =	sadd.s32 $0x88, s3;
	s6 =	simm.s32 @!p1 $0x1082;
	[sflag:s4] =	ssyncset.s32 $0xFFFFF086  }
0x25: {  	[simem:s6], [sflag:s4] =	dma.local [hbm:s3], $0xF7A  }
0x26: {  	[smem:$0x3F9E] =	sst s1;
	(tag) =	ssettag s2;
	_ =	strace s9  }
0x27: {  	s1 =	sld [smem:$0x3FAE]  }
0x28: {  	s2 =	sld [smem:$0x3FAF]  }
0x29: {  	s4 =	sld [smem:$0x3FB1]  }
0x2a: {  	p0 =	seq.s32 s5, $0x0;
	s5 =	sld [smem:$0x3FB2]  }
0x2b: {  	s6 =	sld [smem:$0x3FB3]  }
0x2c: {  	s7 =	sld [smem:$0x3FB4]  }
0x2d: {  	s3 =	simm.s32 $0x108;
	s8 =	sld [smem:$0x3FB5]  }
0x2e: {  	s3 =	simm.s32 @!p0 $0x1082;
	s9 =	sld [smem:$0x3FB6]  }
0x2f: {  	lr =	sadd.s32 s0, s3;
	s0 =	sld [smem:$0x3FAD]  }
0x30: {  	s3 =	sld [smem:$0x3FB0]  }
0x31: {  	[smem:$0x3FB9] =	sst s10  }
0x32: {  	s10 =	sld [smem:$0x3FB7];
	_ =	sdelay $0x3  }
0x33: {  	p0 =	seq.s32 s10, $0x1;
	s10 =	sld [smem:$0x3FB9];
	_ =	sdelay $0x3  }
0x34: {  	[smem:$0x3FB9] =	sst s10  }
0x35: {  	s10 =	sld [smem:$0x3FB8];
	_ =	sdelay $0x3  }
0x36: {  	p1 =	seq.s32 s10, $0x1;
	s10 =	sld [smem:$0x3FB9];
	_ =	sdelay $0x3  }
0x37: {  	[smem:$0x3FB9] =	sst s10  }
0x38: {  	s10 =	sld [smem:$0x3FBA]  }
0x39: {  	_ = 	snop;
	(pc) =	sbr.ind lr, $3  }
0x3a: {  	_ = 	snop  }
0x3b: {  	_ = 	snop  }
0x3c: {  	p2 =	seq.s32 s10, $0x1;
	s10 =	sld [smem:$0x3FB9]  }
0x3d: {  	_ =	shalt  }
0x3e: {  	_ =	shalt  }
0x3f: {  	_ =	shalt  }
0x40: {  	_ =	shalt  }
0x41: {  	_ =	shalt  }
0x42: {  	_ =	shalt  }
0x43: {  	_ =	shalt  }
0x44: {  	_ =	shalt  }
0x45: {  	_ =	shalt  }
0x46: {  	_ =	shalt  }
0x47: {  	_ =	shalt  }
0x48: {  	_ =	shalt  }
0x49: {  	_ =	shalt  }
0x4a: {  	_ =	shalt  }
0x4b: {  	_ =	shalt  }
0x4c: {  	_ =	shalt  }
0x4d: {  	_ =	shalt  }
0x4e: {  	_ =	shalt  }
0x4f: {  	_ =	shalt  }
0x50: {  	_ =	shalt  }
0x51: {  	_ =	shalt  }
0x52: {  	_ =	shalt  }
0x53: {  	_ =	shalt  }
0x54: {  	_ =	shalt  }
0x55: {  	_ =	shalt  }
0x56: {  	_ =	shalt  }
0x57: {  	_ =	shalt  }
0x58: {  	_ =	shalt  }
0x59: {  	_ =	shalt  }
0x5a: {  	_ =	shalt  }
0x5b: {  	_ =	shalt  }
0x5c: {  	_ =	shalt  }
0x5d: {  	_ =	shalt  }
0x5e: {  	_ =	shalt  }
0x5f: {  	_ =	shalt  }
0x60: {  	_ =	shalt  }
0x61: {  	_ =	shalt  }
0x62: {  	_ =	shalt  }
0x63: {  	_ =	shalt  }
0x64: {  	_ =	shalt  }
0x65: {  	_ =	shalt  }
0x66: {  	_ =	shalt  }
0x67: {  	_ =	shalt  }
0x68: {  	_ =	shalt  }
0x69: {  	_ =	shalt  }
0x6a: {  	_ =	shalt  }
0x6b: {  	_ =	shalt  }
0x6c: {  	_ =	shalt  }
0x6d: {  	_ =	shalt  }
0x6e: {  	_ =	shalt  }
0x6f: {  	_ =	shalt  }
0x70: {  	_ =	shalt  }
0x71: {  	_ =	shalt  }
0x72: {  	_ =	shalt  }
0x73: {  	_ =	shalt  }
0x74: {  	_ =	shalt  }
0x75: {  	_ =	shalt  }
0x76: {  	_ =	shalt  }
0x77: {  	_ =	shalt  }
0x78: {  	_ =	shalt  }
0x79: {  	_ =	shalt  }
0x7a: {  	_ =	shalt  }
0x7b: {  	_ =	shalt  }
0x7c: {  	_ =	shalt  }
0x7d: {  	_ =	shalt  }
0x7e: {  	_ =	shalt  }
0x7f: {  	_ =	shalt  }
0x80: {  	_ =	shalt  }
0x81: {  	_ =	shalt  }
0x82: {  	_ =	shalt  }
0x83: {  	_ =	shalt  }
0x84: {  	_ =	shalt  }
0x85: {  	_ =	shalt  }
0x86: {  	_ =	shalt  }
0x87: {  	_ =	shalt  }
.Lfunc_end0:
.L_simem_size_0:
called_computation_lowered:
.L_overlay_start_0:
0x88: {  	s0 =	sld [smem:$0x3FD9]  }
0x89: {  	s1 =	sld [smem:$0x3FFE];
	_ =	sdelay $0x3  }
0x8a: {  	s0 =	sadd.s32 s1, s0  }
0x8b: {  	[smem:$0x3FC5] =	sst s0  }
0x8c: {  	_ = 	snop  }
0x8d: {  	s0 =	sld [smem:$0x3FD0]  }
0x8e: {  	s14 =	sld [smem:$0x3FC9]  }
0x8f: {  	s2 =	sld [smem:$0x3FC8]  }
0x90: {  	s4 =	simm.s32 $0xA;
	s5 =	simm.s32 $0x10;
	s3 =	sld [smem:$0x3FC7]  }
0x91: {  	[smem:s5], [sflag:s4] =	dma.local [hbm:s0], $0x1  }
0x92: {  	_ =	swait.eq [sflag:s4], $0x1  }
0x93: {  	[sflag:s4] =	ssyncset.done $0x0  }
0x94: {  	s15 =	sld [smem:$0x10];
	[sflag:s4] =	ssyncadd.s32 $0xFFFFFFFF  }
0x95: {  	s16 =	sld [smem:$0x11];
	(tm) =	ssettm $0x1  }
0x96: {  	s17 =	sld [smem:$0x3FFB];
	_ =	sdelay $0x3  }
0x97: {  	_ =	strace s17  }
0x98: {  	s5 =	sld [smem:$0x3FFC];
	_ =	sdelay $0x3  }
0x99: {  	_ =	strace s5  }
0x9a: {  	s5 =	sld [smem:$0x3FFD];
	_ =	sdelay $0x3  }
0x9b: {  	_ =	strace s5  }
0x9c: {  	_ =	strace $0x8FFFFFFF  }
0x9d: {  	s18 =	sld [smem:$0x3FDB];
	_ =	sdelay $0x1  }
0x9e: {  	s6 =	simm.s32 $_scs_section_size  }
0x9f: {  	s7 =	simm.s32 $_size__tile_overlayer_lowered;
	s8 =	simm.s32 $_tile_overlayer_lowered  }
0xa0: {  	s21 =	simm.s32 $0x1BFF;
	s20 =	sshll.u32 s8, $0x1;
	s5 =	sadd.s32 s6, s18  }
0xa1: {  	s9 =	simm.s32 $0x0;
	s19 =	sshll.u32 s7, $0x1;
	s7 =	sadd.s32 s20, s5  }
0xa2: {  	[timem:s9], [sflag:s21] =	dma.local [hbm:s7], s19  }
0xa3: {  	_ =	swait.ge [sflag:s21], s19  }
0xa4: {  	s6 =	ssub.s32 $0x0, s19;
	[sflag:s21] =	ssyncset.done $0x0  }
0xa5: {  	[sflag:s21] =	ssyncadd.s32 s6;
	_ =	sdelay $0x1  }
0xa6: {  	s22 =	simm.s32 $0x1B8B  }
0xa7: {  	_ =	swait.ge [sflag:s22], $0x1  }
0xa8: {  	[sflag:s22] =	ssyncset.done $0x0  }
0xa9: {  	s23 =	simm.s32 $0x1B8E;
	[sflag:s22] =	ssyncadd.s32 $0xFFFFFFFF  }
0xaa: {  	s24 =	simm.s32 $execute0_lowered;
	[smem:$0x3FD2] =	sst s23  }
0xab: {  	s6 =	sshll.u32 s24, $0x1;
	_ =	strace $0x80000046;
	[dreg:$0x1] =	wrdreg $0xFFFFFFFF  }
0xac: {  	s25 =	simm.s32 $_size_execute0_lowered;
	s5 =	sadd.s32 s5, s6;
	[dreg:$0x0] =	wrdreg $0x0  }
0xad: {  	s6 =	sshll.u32 s25, $0x1;
	[dreg:$0x2] =	wrdreg s5  }
0xae: {  	[dreg:$0x3] =	wrdreg s6  }
0xaf: {  	[dreg:$0x4] =	wrdreg $0xC0  }
0xb0: {  	_ =	task [dreg:s9], $0x5FFFF  }
0xb1: {  	[dreg:$0x1] =	wrdreg $0xFFFFFFFF  }
0xb2: {  	[dreg:$0x0] =	wrdreg $0x60  }
0xb3: {  	[dreg:$0x2] =	wrdreg s14  }
0xb4: {  	[dreg:$0x3] =	wrdreg s2  }
0xb5: {  	[dreg:$0x4] =	wrdreg s3  }
0xb6: {  	[dreg:$0x5] =	wrdreg s15  }
0xb7: {  	[dreg:$0x6] =	wrdreg s16  }
0xb8: {  	[dreg:$0x7] =	wrdreg $0xEE800  }
0xb9: {  	[dreg:$0x8] =	wrdreg $0x9  }
0xba: {  	_ =	task.clear_ibuf [dreg:s9], $0x9FFFF;
	_ =	strace $0x90000046  }
0xbb: {  	s26 =	simm.s32 $0x9;
	_ =	strace $0x80000048  }
0xbc: {  	_ =	swait.ge [sflag:s26], $0x1  }
0xbd: {  	[sflag:s26] =	ssyncadd.s32 $0xFFFFFFFF  }
0xbe: {  	_ =	strace $0x90000048  }
0xbf: {  	_ =	sfence  }
0xc0: {  	s28 =	sld [smem:$0x0];
	_ =	sdelay $0x1  }
0xc1: {  	s29 =	srdreg.scid  }
0xc2: {  	s30 =	sshll.u32 s29, $0xD;
	s31 =	sshrl.u32 s29, $0x2  }
0xc3: {  	s1 =	sand.u32 $0x1, s29;
	s2 =	sand.u32 $0x4000, s30;
	s0 =	sadd.s32 s31, s28  }
0xc4: {  	s1 =	sor.u32 s2, s1;
	s0 =	sshll.u32 s0, $0x11  }
0xc5: {  	s0 =	sor.u32 s0, s1  }
0xc6: {  	s0 =	sadd.s32 $0x8F2B, s0  }
0xc7: {  	[sflag:s0] =	ssyncadd.remote.s32 $0x1  }
0xc8: {  	_ =	sfence.sel $0xFFFF  }
0xc9: {  	[dreg:$0x0] =	wrdreg $0xFFFFFFFF;
	(pc) =	sbr.abs _section_cstart, $3  }
0xca: {  	[dreg:$0x1] =	wrdreg $0xFFFFFFFF  }
0xcb: {  	_ =	task.clear_ibuf [dreg:s9], $0x2FFFF;
	_ =	strace $0x9FFFFFFF  }
0xcc: {  	(tm) =	ssettm $0x7FFFFFFF  }
0xcd: {  	_ =	shalt  }
tec
execute0_lowered:
.L_overlay_start_1:
0x0: {  	(tag) =	ssettag $0x1  }
0x1: {  	s8 =	rddreg [dreg:$0x0]  }
0x2: {  	s7 =	rddreg [dreg:$0x1]  }
0x3: {  	s4 =	rddreg [dreg:$0x2]  }
0x4: {  	s5 =	rddreg [dreg:$0x3]  }
0x5: {  	s2 =	rddreg [dreg:$0x4]  }
0x6: {  	s3 =	rddreg [dreg:$0x5];
	s1 =	simm.s32 $0x0  }
0x7: {  	[smem:$0x7FF] =	sst s1;
	s1 =	stileid.u32  }
0x8: {  	s0 =	rddreg [dreg:$0x6];
	s9 =	simm.s32 $0x40;
	s6 =	sshll.u32 s1, $0xF  }
0x9: {  	v0 =	vimm.f32 $0.0e+00;
	s11 =	simm.s32 $0x0;
	_ =	strace $0x80000047;
	s10 =	sadd.s32 s5, s6  }
.LBB2_1:
0xa: {  	p0 =	sne.s32 s9, $0xFFC0;
	[tilespmem:s11+$0x0] =	vst v0;
	s11 =	smov.u32 s9;
	s9 =	sadd.s32 $0x40, s9  }
.Ltmp0:
0xb: {  	(pc) =	sbr.rel @p0 .LBB2_1-.Ltmp0, $2  }
0xc: {  	_ =	sdelay $0x2  }
0xd: {  	s11 =	sshra.s32 s11, $0x2  }
0xe: {  	[tilespmem:s11+$0x0] =	vst v0;
	v0 =	vimm.f32 $1.000000000e+00  }
0xf: {  	[tilespmem:$0x4000] =	vst v0  }
0x10: {  	[tilespmem:$0x4010] =	vst v0  }
0x11: {  	[tilespmem:$0x4020] =	vst v0  }
0x12: {  	[tilespmem:$0x4030] =	vst v0  }
0x13: {  	s9 =	simm.s32 $0x0;
	[tilespmem:$0x4040] =	vst v0  }
0x14: {  	[tilespmem:$0x4050] =	vst v0;
	s31 =	sand.u32 $0xFE00, s9  }
0x15: {  	[tilespmem:$0x4060] =	vst v0;
	s12 =	sand.u32 $0x70, s9;
	s13 =	sshrl.u32 s31, $0x2  }
0x16: {  	s11 =	simm.s32 $0x40;
	[tilespmem:$0x4070] =	vst v0;
	v0 =	vimm.f32 $0.0e+00;
	s12 =	sor.u32 s12, s13  }
.LBB2_3:
0x17: {  	p0 =	sne.s32 s11, $0xFFC0  }
0x18: {  	[tilespmem:s12+$0xAE80] =	vst v0;
	s9 =	sadd.s32 $0x10, s9;
	s12 =	smov.u32 s11;
	s11 =	sadd.s32 $0x40, s11  }
.Ltmp1:
0x19: {  	(pc) =	sbr.rel @p0 .LBB2_3-.Ltmp1, $4  }
0x1a: {  	_ = 	snop  }
0x1b: {  	s12 =	sand.u32 $0xFE00, s12  }
0x1c: {  	s13 =	sand.u32 $0x70, s9;
	s12 =	sshrl.u32 s12, $0x2  }
0x1d: {  	s12 =	sor.u32 s13, s12  }
0x1e: {  	[tilespmem:s12+$0xAE80] =	vst v0;
	s9 =	simm.s32 $0x0  }
0x1f: {  	[hbm4b:s10+s9] =	stream.linear.scatter [tilespmem:s9], [sflag:$0x2], $0x4000, $0x38;
	[tilespmem:$0x12E80] =	vst v63  }
0x20: {  	s10 =	simm.s32 $0x2  }
0x21: {  	_ =	swait.ge [sflag:s10], $0x4000  }
0x22: {  	s6 =	sadd.s32 s6, s5;
	[sflag:s10] =	ssyncset.done $0x0  }
0x23: {  	s11 =	sadd.s32 $0x800, s6;
	[sflag:s10] =	ssyncadd.s32 $0xFFFFC000  }
0x24: {  	[hbm4b:s11+s9] =	stream.linear.scatter [tilespmem:s9], [sflag:$0x2], $0x4000, $0x38;
	[tilespmem:$0x12E80] =	vst v63  }
0x25: {  	_ =	swait.ge [sflag:s10], $0x4000  }
0x26: {  	[sflag:s10] =	ssyncset.done $0x0  }
0x27: {  	s28 =	sadd.s32 $0x1000, s6;
	[sflag:s10] =	ssyncadd.s32 $0xFFFFC000  }
0x28: {  	[hbm4b:s28+s9] =	stream.linear.scatter [tilespmem:s9], [sflag:$0x2], $0x4000, $0x38;
	[tilespmem:$0x12E80] =	vst v63  }
0x29: {  	_ =	swait.ge [sflag:s10], $0x4000  }
0x2a: {  	[sflag:s10] =	ssyncset.done $0x0  }
0x2b: {  	s29 =	sadd.s32 $0x1800, s6;
	[sflag:s10] =	ssyncadd.s32 $0xFFFFC000  }
0x2c: {  	[hbm4b:s29+s9] =	stream.linear.scatter [tilespmem:s9], [sflag:$0x2], $0x4000, $0x38;
	[tilespmem:$0x12E80] =	vst v63  }
0x2d: {  	_ =	swait.ge [sflag:s10], $0x4000  }
0x2e: {  	[sflag:s10] =	ssyncset.done $0x0  }
0x2f: {  	s30 =	sadd.s32 $0x2000, s6;
	[sflag:s10] =	ssyncadd.s32 $0xFFFFC000  }
0x30: {  	[hbm4b:s30+s9] =	stream.linear.scatter [tilespmem:s9], [sflag:$0x2], $0x4000, $0x38;
	[tilespmem:$0x12E80] =	vst v63  }
0x31: {  	_ =	swait.ge [sflag:s10], $0x4000  }
0x32: {  	[sflag:s10] =	ssyncset.done $0x0  }
0x33: {  	s31 =	sadd.s32 $0x2800, s6;
	[sflag:s10] =	ssyncadd.s32 $0xFFFFC000  }
0x34: {  	[hbm4b:s31+s9] =	stream.linear.scatter [tilespmem:s9], [sflag:$0x2], $0x4000, $0x38;
	[tilespmem:$0x12E80] =	vst v63  }
0x35: {  	_ =	swait.ge [sflag:s10], $0x4000  }
0x36: {  	[sflag:s10] =	ssyncset.done $0x0  }
0x37: {  	s12 =	sadd.s32 $0x3000, s6;
	[sflag:s10] =	ssyncadd.s32 $0xFFFFC000  }
0x38: {  	[hbm4b:s12+s9] =	stream.linear.scatter [tilespmem:s9], [sflag:$0x2], $0x4000, $0x38;
	[tilespmem:$0x12E80] =	vst v63  }
0x39: {  	_ =	swait.ge [sflag:s10], $0x4000  }
0x3a: {  	[sflag:s10] =	ssyncset.done $0x0  }
0x3b: {  	s13 =	sadd.s32 $0x3800, s6;
	[sflag:s10] =	ssyncadd.s32 $0xFFFFC000  }
0x3c: {  	[hbm4b:s13+s9] =	stream.linear.scatter [tilespmem:s9], [sflag:$0x2], $0x4000, $0x38;
	[tilespmem:$0x12E80] =	vst v63  }
0x3d: {  	_ =	swait.ge [sflag:s10], $0x4000  }
0x3e: {  	[sflag:s10] =	ssyncset.done $0x0  }
0x3f: {  	s14 =	sadd.s32 $0x4000, s6;
	[sflag:s10] =	ssyncadd.s32 $0xFFFFC000  }
0x40: {  	[hbm4b:s14+s9] =	stream.linear.scatter [tilespmem:s9], [sflag:$0x2], $0x4000, $0x38;
	[tilespmem:$0x12E80] =	vst v63  }
0x41: {  	_ =	swait.ge [sflag:s10], $0x4000  }
0x42: {  	[sflag:s10] =	ssyncset.done $0x0  }
0x43: {  	s15 =	sadd.s32 $0x4800, s6;
	[sflag:s10] =	ssyncadd.s32 $0xFFFFC000  }
0x44: {  	[hbm4b:s15+s9] =	stream.linear.scatter [tilespmem:s9], [sflag:$0x2], $0x4000, $0x38;
	[tilespmem:$0x12E80] =	vst v63  }
0x45: {  	_ =	swait.ge [sflag:s10], $0x4000  }
0x46: {  	[sflag:s10] =	ssyncset.done $0x0  }
0x47: {  	s16 =	sadd.s32 $0x5000, s6;
	[sflag:s10] =	ssyncadd.s32 $0xFFFFC000  }
0x48: {  	[hbm4b:s16+s9] =	stream.linear.scatter [tilespmem:s9], [sflag:$0x2], $0x4000, $0x38;
	[tilespmem:$0x12E80] =	vst v63  }
0x49: {  	_ =	swait.ge [sflag:s10], $0x4000  }
0x4a: {  	[sflag:s10] =	ssyncset.done $0x0  }
0x4b: {  	s17 =	sadd.s32 $0x5800, s6;
	[sflag:s10] =	ssyncadd.s32 $0xFFFFC000  }
0x4c: {  	[hbm4b:s17+s9] =	stream.linear.scatter [tilespmem:s9], [sflag:$0x2], $0x4000, $0x38;
	[tilespmem:$0x12E80] =	vst v63  }
0x4d: {  	_ =	swait.ge [sflag:s10], $0x4000  }
0x4e: {  	[sflag:s10] =	ssyncset.done $0x0  }
0x4f: {  	s18 =	sadd.s32 $0x6000, s6;
	[sflag:s10] =	ssyncadd.s32 $0xFFFFC000  }
0x50: {  	[hbm4b:s18+s9] =	stream.linear.scatter [tilespmem:s9], [sflag:$0x2], $0x4000, $0x38;
	[tilespmem:$0x12E80] =	vst v63  }
0x51: {  	_ =	swait.ge [sflag:s10], $0x4000  }
0x52: {  	[sflag:s10] =	ssyncset.done $0x0  }
0x53: {  	s19 =	sadd.s32 $0x6800, s6;
	[sflag:s10] =	ssyncadd.s32 $0xFFFFC000  }
0x54: {  	[hbm4b:s19+s9] =	stream.linear.scatter [tilespmem:s9], [sflag:$0x2], $0x4000, $0x38;
	[tilespmem:$0x12E80] =	vst v63  }
0x55: {  	_ =	swait.ge [sflag:s10], $0x4000  }
0x56: {  	[sflag:s10] =	ssyncset.done $0x0  }
0x57: {  	s20 =	sadd.s32 $0x7000, s6;
	[sflag:s10] =	ssyncadd.s32 $0xFFFFC000  }
0x58: {  	[hbm4b:s20+s9] =	stream.linear.scatter [tilespmem:s9], [sflag:$0x2], $0x4000, $0x38;
	[tilespmem:$0x12E80] =	vst v63  }
0x59: {  	_ =	swait.ge [sflag:s10], $0x4000  }
0x5a: {  	[sflag:s10] =	ssyncset.done $0x0  }
0x5b: {  	s6 =	sadd.s32 $0x7800, s6;
	[sflag:s10] =	ssyncadd.s32 $0xFFFFC000  }
0x5c: {  	[hbm4b:s6+s9] =	stream.linear.scatter [tilespmem:s9], [sflag:$0x2], $0x4000, $0x38;
	[tilespmem:$0x12E80] =	vst v63  }
0x5d: {  	_ =	swait.ge [sflag:s10], $0x4000  }
0x5e: {  	s21 =	sshll.u32 s1, $0xE;
	[sflag:s10] =	ssyncset.done $0x0  }
0x5f: {  	s22 =	simm.s32 $0xAE80;
	s6 =	sadd.s32 s21, s3;
	[sflag:s10] =	ssyncadd.s32 $0xFFFFC000  }
0x60: {  	[spmem:s6] =	stream.linear.scatter [tilespmem:s22], [sflag:$0x2], $0x4000, $0x38;
	[tilespmem:$0x12E80] =	vst v63  }
0x61: {  	s23 =	smul.u32 $0x280, s1;
	_ =	swait.ge [sflag:s10], $0x4000  }
0x62: {  	s24 =	simm.s32 $0x80;
	s25 =	simm.s32 $0x100;
	[sflag:s10] =	ssyncset.done $0x0  }
0x63: {  	s8 =	sadd.s32 s8, s23;
	s13 =	simm.s32 $0x4080;
	[sflag:s10] =	ssyncadd.s32 $0xFFFFC000  }
0x64: {  	[tilespmem:s13], [sflag:$0x2] =	stream.strided.gather [hbm4b:s8+s24], $0xA00, s25, s24, $0x38;
	[tilespmem:$0x12E80] =	vst v63  }
0x65: {  	_ =	swait.ge [sflag:s10], $0xA00  }
0x66: {  	[sflag:s10] =	ssyncset.done $0x0  }
0x67: {  	s26 =	simm.s32 $0x4A80;
	s8 =	sadd.s32 $0x10, s8;
	[sflag:s10] =	ssyncadd.s32 $0xFFFFF600  }
0x68: {  	[tilespmem:s26], [sflag:$0x2] =	stream.strided.gather [hbm4b:s8+s24], $0xA00, s25, s24, $0x38;
	[tilespmem:$0x12E80] =	vst v63  }
0x69: {  	_ =	swait.ge [sflag:s10], $0xA00  }
0x6a: {  	[sflag:s10] =	ssyncset.done $0x0  }
0x6b: {  	s28 =	simm.s32 $0x0;
	[sflag:s10] =	ssyncadd.s32 $0xFFFFF600  }
0x6c: {  	v63 =	vld [tilespmem:s28+$0x4080]  }
0x6d: {  	v1 =	vld [tilespmem:s28+$0x4A80];
	_ =	sdelay $0x2  }
0x6e: {  	s29 =	sand.u32 $0x3E00, s9  }
0x6f: {  	s30 =	sand.u32 $0x70, s9;
	s8 =	sshrl.u32 s29, $0x2;
	v0 =	vshll.u32 v63, $0xB  }
0x70: {  	s31 =	sor.u32 s30, s8;
	v0 =	vadd.s32 v1, v0  }
0x71: {  	s11 =	simm.s32 $0x10;
	s8 =	simm.s32 $0x40;
	s10 =	simm.s32 $0x80;
	[tilespmem:s31+$0x5480] =	vst v0  }
.LBB2_5:
0x72: {  	p0 =	sne.s32 s10, $0x27C0;
	v0 =	vld [tilespmem:s11+$0x4080]  }
0x73: {  	v1 =	vld [tilespmem:s11+$0x4A80];
	_ =	sdelay $0x1  }
.Ltmp2:
0x74: {  	(pc) =	sbr.rel @p0 .LBB2_5-.Ltmp2, $4  }
0x75: {  	s9 =	sadd.s32 $0x10, s9;
	s11 =	sand.u32 $0x3E00, s8;
	s8 =	smov.u32 s10  }
0x76: {  	s12 =	sand.u32 $0x70, s9;
	s11 =	sshrl.u32 s11, $0x2;
	v0 =	vshll.u32 v0, $0xB  }
0x77: {  	s12 =	sor.u32 s12, s11;
	v0 =	vadd.s32 v1, v0  }
0x78: {  	s10 =	sadd.s32 $0x40, s10;
	s11 =	sshra.s32 s8, $0x2;
	[tilespmem:s12+$0x5480] =	vst v0  }
0x79: {  	v0 =	vld [tilespmem:s11+$0x4080]  }
0x7a: {  	v1 =	vld [tilespmem:s11+$0x4A80];
	_ =	sdelay $0x2  }
0x7b: {  	s8 =	sand.u32 $0x3E00, s8;
	s9 =	sadd.s32 $0x10, s9  }
0x7c: {  	s10 =	smul.u32 $0xC0, s1;
	s9 =	sand.u32 $0x70, s9;
	s8 =	sshrl.u32 s8, $0x2;
	v0 =	vshll.u32 v0, $0xB  }
0x7d: {  	s26 =	simm.s32 $0x80;
	s28 =	simm.s32 $0x100;
	s8 =	sor.u32 s9, s8;
	v0 =	vadd.s32 v1, v0  }
0x7e: {  	s29 =	simm.s32 $0x6080;
	s30 =	simm.s32 $0x2;
	s7 =	sadd.s32 s7, s10;
	[tilespmem:s8+$0x5480] =	vst v0  }
0x7f: {  	[tilespmem:s29], [sflag:$0x2] =	stream.strided.gather [hbm4b:s7+s26], $0x300, s28, s26, $0x38;
	[tilespmem:$0x12E80] =	vst v63  }
0x80: {  	_ =	swait.ge [sflag:s30], $0x300  }
0x81: {  	[sflag:s30] =	ssyncset.done $0x0  }
0x82: {  	s31 =	simm.s32 $0x6380;
	s7 =	sadd.s32 $0x10, s7;
	[sflag:s30] =	ssyncadd.s32 $0xFFFFFD00  }
0x83: {  	[tilespmem:s31], [sflag:$0x2] =	stream.strided.gather [hbm4b:s7+s26], $0x300, s28, s26, $0x38;
	[tilespmem:$0x12E80] =	vst v63  }
0x84: {  	_ =	swait.ge [sflag:s30], $0x300  }
0x85: {  	[sflag:s30] =	ssyncset.done $0x0  }
0x86: {  	s7 =	simm.s32 $0x0;
	[sflag:s30] =	ssyncadd.s32 $0xFFFFFD00  }
0x87: {  	v0 =	vld [tilespmem:s7+$0x6380]  }
0x88: {  	s8 =	simm.s32 $0x40;
	v1 =	vld [tilespmem:s7+$0x6080]  }
.LBB2_7:
0x89: {  	p0 =	sne.s32 s8, $0xBC0  }
.Ltmp3:
0x8a: {  	_ = 	snop;
	(pc) =	sbr.rel @p0 .LBB2_7-.Ltmp3, $4  }
0x8b: {  	_ = 	snop  }
0x8c: {  	s9 =	sshra.s32 s8, $0x2;
	s8 =	sadd.s32 $0x40, s8;
	[tilespmem:s7+$0x6A80] =	vst v0  }
0x8d: {  	v0 =	vld [tilespmem:s9+$0x6380];
	[tilespmem:s7+$0x6680] =	vst v1;
	s7 =	smov.u32 s9  }
0x8e: {  	v1 =	vld [tilespmem:s7+$0x6080]  }
0x8f: {  	_ =	sdelay $0x2  }
0x90: {  	[tilespmem:s7+$0x6A80] =	vst v0  }
0x91: {  	s8 =	simm.s32 $0x5480;
	[tilespmem:s7+$0x6680] =	vst v1  }
0x92: {  	s9 =	simm.s32 $0x4000;
	s7 =	simm.s32 $0x80;
	[bflag:$0x0] =	sbarrier.arrive $0xFFFF  }
0x93: {  	[hbm4b:s5+s7] =	stream.indirect.scatter [tilespmem:s9], [sflag:$0x1], $0x1, s8, s7, $0xb8;
	[tilespmem:$0x12E80] =	vst v63  }
0x94: {  	s16 =	simm.s32 $0x5500  }
0x95: {  	[hbm4b:s5+s7] =	stream.indirect.scatter [tilespmem:s9], [sflag:$0x1], $0x1, s16, s7, $0xb8;
	[tilespmem:$0x12E80] =	vst v63  }
0x96: {  	s17 =	simm.s32 $0x5580  }
0x97: {  	[hbm4b:s5+s7] =	stream.indirect.scatter [tilespmem:s9], [sflag:$0x1], $0x1, s17, s7, $0xb8;
	[tilespmem:$0x12E80] =	vst v63  }
0x98: {  	s18 =	simm.s32 $0x5600  }
0x99: {  	[hbm4b:s5+s7] =	stream.indirect.scatter [tilespmem:s9], [sflag:$0x1], $0x1, s18, s7, $0xb8;
	[tilespmem:$0x12E80] =	vst v63  }
0x9a: {  	s19 =	simm.s32 $0x5680  }
0x9b: {  	[hbm4b:s5+s7] =	stream.indirect.scatter [tilespmem:s9], [sflag:$0x1], $0x1, s19, s7, $0xb8;
	[tilespmem:$0x12E80] =	vst v63  }
0x9c: {  	s20 =	simm.s32 $0x5700  }
0x9d: {  	[hbm4b:s5+s7] =	stream.indirect.scatter [tilespmem:s9], [sflag:$0x1], $0x1, s20, s7, $0xb8;
	[tilespmem:$0x12E80] =	vst v63  }
0x9e: {  	s21 =	simm.s32 $0x5780  }
0x9f: {  	[hbm4b:s5+s7] =	stream.indirect.scatter [tilespmem:s9], [sflag:$0x1], $0x1, s21, s7, $0xb8;
	[tilespmem:$0x12E80] =	vst v63  }
0xa0: {  	s22 =	simm.s32 $0x5800  }
0xa1: {  	[hbm4b:s5+s7] =	stream.indirect.scatter [tilespmem:s9], [sflag:$0x1], $0x1, s22, s7, $0xb8;
	[tilespmem:$0x12E80] =	vst v63  }
0xa2: {  	s23 =	simm.s32 $0x5880  }
0xa3: {  	[hbm4b:s5+s7] =	stream.indirect.scatter [tilespmem:s9], [sflag:$0x1], $0x1, s23, s7, $0xb8;
	[tilespmem:$0x12E80] =	vst v63  }
0xa4: {  	s24 =	simm.s32 $0x5900  }
0xa5: {  	[hbm4b:s5+s7] =	stream.indirect.scatter [tilespmem:s9], [sflag:$0x1], $0x1, s24, s7, $0xb8;
	[tilespmem:$0x12E80] =	vst v63  }
0xa6: {  	s25 =	simm.s32 $0x5980  }
0xa7: {  	[hbm4b:s5+s7] =	stream.indirect.scatter [tilespmem:s9], [sflag:$0x1], $0x1, s25, s7, $0xb8;
	[tilespmem:$0x12E80] =	vst v63  }
0xa8: {  	s26 =	simm.s32 $0x5A00  }
0xa9: {  	[hbm4b:s5+s7] =	stream.indirect.scatter [tilespmem:s9], [sflag:$0x1], $0x1, s26, s7, $0xb8;
	[tilespmem:$0x12E80] =	vst v63  }
0xaa: {  	s28 =	simm.s32 $0x5A80  }
0xab: {  	[hbm4b:s5+s7] =	stream.indirect.scatter [tilespmem:s9], [sflag:$0x1], $0x1, s28, s7, $0xb8;
	[tilespmem:$0x12E80] =	vst v63  }
0xac: {  	s29 =	simm.s32 $0x5B00  }
0xad: {  	[hbm4b:s5+s7] =	stream.indirect.scatter [tilespmem:s9], [sflag:$0x1], $0x1, s29, s7, $0xb8;
	[tilespmem:$0x12E80] =	vst v63  }
0xae: {  	s30 =	simm.s32 $0x5B80  }
0xaf: {  	[hbm4b:s5+s7] =	stream.indirect.scatter [tilespmem:s9], [sflag:$0x1], $0x1, s30, s7, $0xb8;
	[tilespmem:$0x12E80] =	vst v63  }
0xb0: {  	s31 =	simm.s32 $0x5C00  }
0xb1: {  	[hbm4b:s5+s7] =	stream.indirect.scatter [tilespmem:s9], [sflag:$0x1], $0x1, s31, s7, $0xb8;
	[tilespmem:$0x12E80] =	vst v63  }
0xb2: {  	s10 =	simm.s32 $0x5C80  }
0xb3: {  	[hbm4b:s5+s7] =	stream.indirect.scatter [tilespmem:s9], [sflag:$0x1], $0x1, s10, s7, $0xb8;
	[tilespmem:$0x12E80] =	vst v63  }
0xb4: {  	s11 =	simm.s32 $0x5D00  }
0xb5: {  	[hbm4b:s5+s7] =	stream.indirect.scatter [tilespmem:s9], [sflag:$0x1], $0x1, s11, s7, $0xb8;
	[tilespmem:$0x12E80] =	vst v63  }
0xb6: {  	s12 =	simm.s32 $0x5D80  }
0xb7: {  	[hbm4b:s5+s7] =	stream.indirect.scatter [tilespmem:s9], [sflag:$0x1], $0x1, s12, s7, $0xb8;
	[tilespmem:$0x12E80] =	vst v63  }
0xb8: {  	s13 =	simm.s32 $0x5E00;
	s14 =	simm.s32 $0x1  }
0xb9: {  	[hbm4b:s5+s7] =	stream.indirect.scatter [tilespmem:s9], [sflag:$0x1], $0x1, s13, s7, $0xb8;
	[tilespmem:$0x12E80] =	vst v63  }
0xba: {  	_ =	swait.ge [sflag:s14], $0x80  }
0xbb: {  	[sflag:s14] =	ssyncset.done $0x0  }
0xbc: {  	[sflag:s14] =	ssyncadd.s32 $0xFFFFFF80  }
0xbd: {  	_ =	swait.ge [sflag:s14], $0x80  }
0xbe: {  	[sflag:s14] =	ssyncset.done $0x0  }
0xbf: {  	[sflag:s14] =	ssyncadd.s32 $0xFFFFFF80  }
0xc0: {  	_ =	swait.ge [sflag:s14], $0x80  }
0xc1: {  	[sflag:s14] =	ssyncset.done $0x0  }
0xc2: {  	[sflag:s14] =	ssyncadd.s32 $0xFFFFFF80  }
0xc3: {  	_ =	swait.ge [sflag:s14], $0x80  }
0xc4: {  	[sflag:s14] =	ssyncset.done $0x0  }
0xc5: {  	[sflag:s14] =	ssyncadd.s32 $0xFFFFFF80  }
0xc6: {  	_ =	swait.ge [sflag:s14], $0x80  }
0xc7: {  	[sflag:s14] =	ssyncset.done $0x0  }
0xc8: {  	[sflag:s14] =	ssyncadd.s32 $0xFFFFFF80  }
0xc9: {  	_ =	swait.ge [sflag:s14], $0x80  }
0xca: {  	[sflag:s14] =	ssyncset.done $0x0  }
0xcb: {  	[sflag:s14] =	ssyncadd.s32 $0xFFFFFF80  }
0xcc: {  	_ =	swait.ge [sflag:s14], $0x80  }
0xcd: {  	[sflag:s14] =	ssyncset.done $0x0  }
0xce: {  	[sflag:s14] =	ssyncadd.s32 $0xFFFFFF80  }
0xcf: {  	_ =	swait.ge [sflag:s14], $0x80  }
0xd0: {  	[sflag:s14] =	ssyncset.done $0x0  }
0xd1: {  	[sflag:s14] =	ssyncadd.s32 $0xFFFFFF80  }
0xd2: {  	_ =	swait.ge [sflag:s14], $0x80  }
0xd3: {  	[sflag:s14] =	ssyncset.done $0x0  }
0xd4: {  	[sflag:s14] =	ssyncadd.s32 $0xFFFFFF80  }
0xd5: {  	_ =	swait.ge [sflag:s14], $0x80  }
0xd6: {  	[sflag:s14] =	ssyncset.done $0x0  }
0xd7: {  	[sflag:s14] =	ssyncadd.s32 $0xFFFFFF80  }
0xd8: {  	_ =	swait.ge [sflag:s14], $0x80  }
0xd9: {  	[sflag:s14] =	ssyncset.done $0x0  }
0xda: {  	[sflag:s14] =	ssyncadd.s32 $0xFFFFFF80  }
0xdb: {  	_ =	swait.ge [sflag:s14], $0x80  }
0xdc: {  	[sflag:s14] =	ssyncset.done $0x0  }
0xdd: {  	[sflag:s14] =	ssyncadd.s32 $0xFFFFFF80  }
0xde: {  	_ =	swait.ge [sflag:s14], $0x80  }
0xdf: {  	[sflag:s14] =	ssyncset.done $0x0  }
0xe0: {  	[sflag:s14] =	ssyncadd.s32 $0xFFFFFF80  }
0xe1: {  	_ =	swait.ge [sflag:s14], $0x80  }
0xe2: {  	[sflag:s14] =	ssyncset.done $0x0  }
0xe3: {  	[sflag:s14] =	ssyncadd.s32 $0xFFFFFF80  }
0xe4: {  	_ =	swait.ge [sflag:s14], $0x80  }
0xe5: {  	[sflag:s14] =	ssyncset.done $0x0  }
0xe6: {  	[sflag:s14] =	ssyncadd.s32 $0xFFFFFF80  }
0xe7: {  	_ =	swait.ge [sflag:s14], $0x80  }
0xe8: {  	[sflag:s14] =	ssyncset.done $0x0  }
0xe9: {  	[sflag:s14] =	ssyncadd.s32 $0xFFFFFF80  }
0xea: {  	_ =	swait.ge [sflag:s14], $0x80  }
0xeb: {  	[sflag:s14] =	ssyncset.done $0x0  }
0xec: {  	[sflag:s14] =	ssyncadd.s32 $0xFFFFFF80  }
0xed: {  	_ =	swait.ge [sflag:s14], $0x80  }
0xee: {  	[sflag:s14] =	ssyncset.done $0x0  }
0xef: {  	[sflag:s14] =	ssyncadd.s32 $0xFFFFFF80  }
0xf0: {  	_ =	swait.ge [sflag:s14], $0x80  }
0xf1: {  	[sflag:s14] =	ssyncset.done $0x0  }
0xf2: {  	[sflag:s14] =	ssyncadd.s32 $0xFFFFFF80  }
0xf3: {  	_ =	swait.ge [sflag:s14], $0x80  }
0xf4: {  	[sflag:s14] =	ssyncset.done $0x0  }
0xf5: {  	s15 =	simm.s32 $0x6A80;
	s16 =	simm.s32 $0x6E80;
	[sflag:s14] =	ssyncadd.s32 $0xFFFFFF80  }
0xf6: {  	[tilespmem:s16], [sflag:$0x1] =	stream.indirect.gather [hbm4b:s4+s7], $0x80, s15, s7, $0xb8;
	[tilespmem:$0x12E80] =	vst v63  }
0xf7: {  	_ =	swait.ge [sflag:s14], $0x4000  }
0xf8: {  	[sflag:s14] =	ssyncset.done $0x0  }
0xf9: {  	s17 =	simm.s32 $0x6680;
	s18 =	simm.s32 $0x2;
	[sflag:s14] =	ssyncadd.s32 $0xFFFFC000  }
0xfa: {  	[spmem:s3] =	stream.indirect.scatter.add.f32 [tilespmem:s16], [sflag:$0x2], $0x80, s17, s7, $0xb8;
	[tilespmem:$0x12E80] =	vst v63  }
0xfb: {  	_ =	swait.ge [sflag:s18], $0x4000  }
0xfc: {  	[sflag:s18] =	ssyncset.done $0x0  }
0xfd: {  	s10 =	simm.s32 $0x6B00;
	[sflag:s18] =	ssyncadd.s32 $0xFFFFC000  }
0xfe: {  	[tilespmem:s16], [sflag:$0x1] =	stream.indirect.gather [hbm4b:s4+s7], $0x80, s10, s7, $0xb8;
	[tilespmem:$0x12E80] =	vst v63  }
0xff: {  	_ =	swait.ge [sflag:s14], $0x4000  }
0x100: {  	[sflag:s14] =	ssyncset.done $0x0  }
0x101: {  	s19 =	simm.s32 $0x6700;
	[sflag:s14] =	ssyncadd.s32 $0xFFFFC000  }
0x102: {  	[spmem:s3] =	stream.indirect.scatter.add.f32 [tilespmem:s16], [sflag:$0x2], $0x80, s19, s7, $0xb8;
	[tilespmem:$0x12E80] =	vst v63  }
0x103: {  	_ =	swait.ge [sflag:s18], $0x4000  }
0x104: {  	[sflag:s18] =	ssyncset.done $0x0  }
0x105: {  	s20 =	simm.s32 $0x6B80;
	[sflag:s18] =	ssyncadd.s32 $0xFFFFC000  }
0x106: {  	[tilespmem:s16], [sflag:$0x1] =	stream.indirect.gather [hbm4b:s4+s7], $0x80, s20, s7, $0xb8;
	[tilespmem:$0x12E80] =	vst v63  }
0x107: {  	_ =	swait.ge [sflag:s14], $0x4000  }
0x108: {  	[sflag:s14] =	ssyncset.done $0x0  }
0x109: {  	s21 =	simm.s32 $0x6780;
	[sflag:s14] =	ssyncadd.s32 $0xFFFFC000  }
0x10a: {  	[spmem:s3] =	stream.indirect.scatter.add.f32 [tilespmem:s16], [sflag:$0x2], $0x80, s21, s7, $0xb8;
	[tilespmem:$0x12E80] =	vst v63  }
0x10b: {  	_ =	swait.ge [sflag:s18], $0x4000  }
0x10c: {  	[sflag:s18] =	ssyncset.done $0x0  }
0x10d: {  	s22 =	simm.s32 $0x6C00;
	[sflag:s18] =	ssyncadd.s32 $0xFFFFC000  }
0x10e: {  	[tilespmem:s16], [sflag:$0x1] =	stream.indirect.gather [hbm4b:s4+s7], $0x80, s22, s7, $0xb8;
	[tilespmem:$0x12E80] =	vst v63  }
0x10f: {  	_ =	swait.ge [sflag:s14], $0x4000  }
0x110: {  	[sflag:s14] =	ssyncset.done $0x0  }
0x111: {  	s23 =	simm.s32 $0x6800;
	[sflag:s14] =	ssyncadd.s32 $0xFFFFC000  }
0x112: {  	[spmem:s3] =	stream.indirect.scatter.add.f32 [tilespmem:s16], [sflag:$0x2], $0x80, s23, s7, $0xb8;
	[tilespmem:$0x12E80] =	vst v63  }
0x113: {  	_ =	swait.ge [sflag:s18], $0x4000  }
0x114: {  	[sflag:s18] =	ssyncset.done $0x0  }
0x115: {  	s24 =	simm.s32 $0x6C80;
	[sflag:s18] =	ssyncadd.s32 $0xFFFFC000  }
0x116: {  	[tilespmem:s16], [sflag:$0x1] =	stream.indirect.gather [hbm4b:s4+s7], $0x80, s24, s7, $0xb8;
	[tilespmem:$0x12E80] =	vst v63  }
0x117: {  	_ =	swait.ge [sflag:s14], $0x4000  }
0x118: {  	[sflag:s14] =	ssyncset.done $0x0  }
0x119: {  	s25 =	simm.s32 $0x6880;
	[sflag:s14] =	ssyncadd.s32 $0xFFFFC000  }
0x11a: {  	[spmem:s3] =	stream.indirect.scatter.add.f32 [tilespmem:s16], [sflag:$0x2], $0x80, s25, s7, $0xb8;
	[tilespmem:$0x12E80] =	vst v63  }
0x11b: {  	_ =	swait.ge [sflag:s18], $0x4000  }
0x11c: {  	[sflag:s18] =	ssyncset.done $0x0  }
0x11d: {  	s26 =	simm.s32 $0x6D00;
	[sflag:s18] =	ssyncadd.s32 $0xFFFFC000  }
0x11e: {  	[tilespmem:s16], [sflag:$0x1] =	stream.indirect.gather [hbm4b:s4+s7], $0x80, s26, s7, $0xb8;
	[tilespmem:$0x12E80] =	vst v63  }
0x11f: {  	_ =	swait.ge [sflag:s14], $0x4000  }
0x120: {  	[sflag:s14] =	ssyncset.done $0x0  }
0x121: {  	s28 =	simm.s32 $0x6900;
	[sflag:s14] =	ssyncadd.s32 $0xFFFFC000  }
0x122: {  	[spmem:s3] =	stream.indirect.scatter.add.f32 [tilespmem:s16], [sflag:$0x2], $0x80, s28, s7, $0xb8;
	[tilespmem:$0x12E80] =	vst v63  }
0x123: {  	_ =	swait.ge [sflag:s18], $0x4000  }
0x124: {  	s29 =	sshll.u32 s1, $0xB;
	[sflag:s18] =	ssyncset.done $0x0  }
0x125: {  	s2 =	sadd.s32 s2, s29;
	s30 =	sshll.u32 s1, $0x6;
	[sflag:s18] =	ssyncadd.s32 $0xFFFFC000  }
0x126: {  	s31 =	sshrl.u32 s6, $0x3;
	s3 =	sor.u32 $0x1C02, s30;
	[bflag:$0x0] =	sbarrier.arrive $0xFFFF  }
0x127: {  	[hbm:s2], [sflag:s3] =	dma.local [spmem:s31], $0x800  }
0x128: {  	_ =	swait.ge [sflag:s18], $0x800  }
0x129: {  	[sflag:s18] =	ssyncset.done $0x0  }
0x12a: {  	[sflag:s18] =	ssyncadd.s32 $0xFFFFF800  }
0x12b: {  	_ =	sfence.sel $0x180000  }
0x12c: {  	[bflag:$0x0] =	sbarrier.arrive $0xFFFF  }
0x12d: {  	p0 =	sne.s32 s1, $0x0;
	_ =	strace $0x90000047  }
0x12e: {  	s0 =	sadd.s32 @!p0 $0x100000, s0;
	[bflag:$0x2] =	sbarrier.arrive $0xFFFF  }
0x12f: {  	[sflag:s0] =	ssyncadd.tile.s32 @!p0 $0x1;
	_ =	shalt  }
.Lfunc_end2:
_tile_overlayer_lowered:
.L_overlay_start_2:
0x130: {  	(tag) =	ssettag $0x2  }
0x131: {  	s0 =	rddreg [dreg:$0x0];
	s2 =	stileid.u32  }
0x132: {  	s1 =	rddreg [dreg:$0x1];
	p0 =	sne.s32 s2, $0x0  }
0x133: {  	s3 =	rddreg [dreg:$0x2];
	[bflag:$0x3] =	sbarrier.arrive $0xFFFF;
	s2 =	simm.s32 @!p0 $0x1C02  }
0x134: {  	[timem:s3], [sflag:s2] =	dma.local @!p0 [hbm:s0], s1  }
0x135: {  	s0 =	simm.s32 @!p0 $0x2  }
0x136: {  	_ =	swait.ge @!p0 [sflag:s0], s1  }
0x137: {  	s1 =	ssub.s32 @!p0 $0x0, s1;
	[sflag:s0] =	ssyncset.done @!p0 $0x0  }
0x138: {  	[sflag:s0] =	ssyncadd.s32 @!p0 s1  }
0x139: {  	[bflag:$0x3] =	sbarrier.arrive $0xFFFF  }
0x13a: {  	_ =	shalt  }

</sc_bundles>
